<compile_context>
chip_gen: v7x
topology: tpu7x:2x2x1
jax: 0.10.2.dev20260603
libtpu: 0.0.44.dev20260713+nightly
codegen_flags: <defaults>
</compile_context>

<pallas_src>
import jax
import jax.numpy as jnp
from jax import lax
from jax.experimental import pallas as pl
from jax.experimental.pallas import tpu as pltpu
from jax.experimental.pallas import tpu_sc as plsc

N_NODES = 10000
N_EDGES = 320000
D_IN = 128
D_HID = 64
N_CLS = 6

NC, NS = 2, 16
NW = NC * NS
CHUNK = 125
ROWS_PER_TILE = N_NODES // NS
EW = N_EDGES // NW
NSTREAM = EW // CHUNK
DEGW = 16
NBUF = 2
ZROWS = 125
ZITER = ROWS_PER_TILE // ZROWS


def _deg_body(ei_hbm, ones_hbm, zeros_hbm, out_hbm, dst_v, ones_v, zbuf_v,
              semd, deg_sh):
    c = lax.axis_index("c")
    s = lax.axis_index("s")
    wid = s * NC + c
    pltpu.sync_copy(zeros_hbm, zbuf_v)
    pltpu.sync_copy(zbuf_v, deg_sh.at[pl.ds(s * ROWS_PER_TILE, ROWS_PER_TILE)])
    pltpu.sync_copy(ones_hbm, ones_v)
    pltpu.sync_copy(ei_hbm.at[1, wid], dst_v)
    plsc.subcore_barrier()

    def body(j, carry):
        pltpu.async_copy(ones_v, deg_sh.at[dst_v.at[j]], semd, add=True)
        return carry

    lax.fori_loop(0, NSTREAM, body, 0)

    def drain(j, carry):
        pltpu.make_async_copy(ones_v, deg_sh.at[dst_v.at[j]], semd).wait()
        return carry

    lax.fori_loop(0, NSTREAM, drain, 0)
    plsc.subcore_barrier()
    pltpu.sync_copy(deg_sh.at[pl.ds(s * ROWS_PER_TILE, ROWS_PER_TILE)], zbuf_v)
    pltpu.sync_copy(zbuf_v, out_hbm.at[c, pl.ds(s * ROWS_PER_TILE, ROWS_PER_TILE)])


_deg_call = pl.kernel(
    _deg_body,
    out_type=jax.ShapeDtypeStruct((NC, N_NODES, DEGW), jnp.float32),
    mesh=plsc.VectorSubcoreMesh(core_axis_name="c", subcore_axis_name="s"),
    compiler_params=pltpu.CompilerParams(use_tc_tiling_on_sc=False),
    scratch_types=[
        pltpu.VMEM((NSTREAM, CHUNK), jnp.int32),
        pltpu.VMEM((CHUNK, DEGW), jnp.float32),
        pltpu.VMEM((ROWS_PER_TILE, DEGW), jnp.float32),
        pltpu.SemaphoreType.DMA,
        pltpu.VMEM_SHARED((N_NODES, DEGW), jnp.float32),
    ],
)


def _agg_body(y_hbm, ei_hbm, zeros_hbm, out_hbm,
              src_v, dst_v, rows_v, zbuf_v, semg, acc_sh, ytab_sh):
    c = lax.axis_index("c")
    s = lax.axis_index("s")
    wid = s * NC + c
    tsl = pl.ds(s * ROWS_PER_TILE, ROWS_PER_TILE)
    pltpu.sync_copy(y_hbm.at[tsl], ytab_sh.at[tsl])
    pltpu.sync_copy(zeros_hbm, zbuf_v)
    for t in range(ZITER):
        pltpu.sync_copy(zbuf_v,
                        acc_sh.at[pl.ds(s * ROWS_PER_TILE + t * ZROWS, ZROWS)])
    pltpu.sync_copy(ei_hbm.at[0, wid], src_v)
    pltpu.sync_copy(ei_hbm.at[1, wid], dst_v)
    plsc.subcore_barrier()

    for p in range(NBUF - 1):
        pltpu.async_copy(ytab_sh.at[src_v.at[p]], rows_v.at[p], semg.at[p])

    def body(j, carry):
        slot = lax.rem(j, NBUF)

        @pl.when(j + NBUF - 1 < NSTREAM)
        def _():
            ns = lax.rem(j + NBUF - 1, NBUF)
            pltpu.async_copy(ytab_sh.at[src_v.at[j + NBUF - 1]], rows_v.at[ns],
                             semg.at[ns])

        pltpu.make_async_copy(ytab_sh.at[src_v.at[j]], rows_v.at[slot],
                              semg.at[slot]).wait()
        pltpu.sync_copy(rows_v.at[slot], acc_sh.at[dst_v.at[j]], add=True)
        return carry

    lax.fori_loop(0, NSTREAM, body, 0)
    plsc.subcore_barrier()
    for t in range(ZITER):
        sl = pl.ds(s * ROWS_PER_TILE + t * ZROWS, ZROWS)
        pltpu.sync_copy(acc_sh.at[sl], zbuf_v)
        pltpu.sync_copy(zbuf_v, out_hbm.at[c, sl])


_agg_call = pl.kernel(
    _agg_body,
    out_type=jax.ShapeDtypeStruct((NC, N_NODES, D_HID), jnp.float32),
    mesh=plsc.VectorSubcoreMesh(core_axis_name="c", subcore_axis_name="s"),
    compiler_params=pltpu.CompilerParams(use_tc_tiling_on_sc=False),
    scratch_types=[
        pltpu.VMEM((NSTREAM, CHUNK), jnp.int32),
        pltpu.VMEM((NSTREAM, CHUNK), jnp.int32),
        pltpu.VMEM((NBUF, CHUNK, D_HID), jnp.float32),
        pltpu.VMEM((ZROWS, D_HID), jnp.float32),
        pltpu.SemaphoreType.DMA((NBUF,)),
        pltpu.VMEM_SHARED((N_NODES, D_HID), jnp.float32),
        pltpu.VMEM_SHARED((N_NODES, D_HID), jnp.float32),
    ],
)

R_BLK = 2000
GRID = N_NODES // R_BLK


def _dinv_of(degp_ref):
    deg = degp_ref[0, :, 0:1] + degp_ref[1, :, 0:1] + 1.0
    return lax.rsqrt(deg)


def _tc_matmul(x_ref, w_ref, y_ref):
    y_ref[...] = jnp.dot(x_ref[...], w_ref[...],
                         preferred_element_type=jnp.float32)


def _tc_scale(xw_ref, degp_ref, y_ref):
    y_ref[...] = xw_ref[...] * _dinv_of(degp_ref)


def _tc_mid(sp_ref, y_ref, degp_ref, w_ref, b_ref, out_ref):
    dinv = _dinv_of(degp_ref)
    agg = sp_ref[0] + sp_ref[1] + y_ref[...]
    h = jax.nn.relu(dinv * agg + b_ref[...])
    out_ref[...] = jnp.dot(h, w_ref[...],
                           preferred_element_type=jnp.float32) * dinv


def _log_softmax(z):
    z = z - jnp.max(z, axis=1, keepdims=True)
    return z - jnp.log(jnp.sum(jnp.exp(z), axis=1, keepdims=True))


def _tc_head(sp_ref, y_ref, degp_ref, b_ref, wi_ref, bi_ref, wl_ref, bl_ref,
             imp_ref, lik_ref):
    dinv = _dinv_of(degp_ref)
    agg = sp_ref[0] + sp_ref[1] + y_ref[...]
    h = jax.nn.relu(dinv * agg + b_ref[...])
    imp_ref[...] = _log_softmax(
        jnp.dot(h, wi_ref[...], preferred_element_type=jnp.float32) + bi_ref[...])
    lik_ref[...] = _log_softmax(
        jnp.dot(h, wl_ref[...], preferred_element_type=jnp.float32) + bl_ref[...])


def _row_spec(width):
    return pl.BlockSpec((R_BLK, width), lambda i: (i, 0))


_DEGP_SPEC = pl.BlockSpec((NC, R_BLK, DEGW), lambda i: (0, i, 0))
_SP_SPEC = pl.BlockSpec((NC, R_BLK, D_HID), lambda i: (0, i, 0))


def _full(shape):
    nd = len(shape)
    return pl.BlockSpec(shape, lambda i: (0,) * nd)


def kernel(x, edge_index, W1, b1, W2, b2, Wi, bi, Wl, bl):
    ei = edge_index.astype(jnp.int32).reshape(2, NW, NSTREAM, CHUNK)
    zeros64 = jnp.zeros((ZROWS, D_HID), jnp.float32)
    zeros16 = jnp.zeros((ROWS_PER_TILE, DEGW), jnp.float32)
    ones16 = jnp.ones((CHUNK, DEGW), jnp.float32)
    b1r = b1.reshape(1, D_HID)
    b2r = b2.reshape(1, D_HID)
    bir = bi.reshape(1, N_CLS)
    blr = bl.reshape(1, N_CLS)

    degp = _deg_call(ei, ones16, zeros16)

    xw = pl.pallas_call(
        _tc_matmul,
        grid=(GRID,),
        in_specs=[_row_spec(D_IN), _full((D_IN, D_HID))],
        out_specs=_row_spec(D_HID),
        out_shape=jax.ShapeDtypeStruct((N_NODES, D_HID), jnp.float32),
    )(x, W1)

    y1 = pl.pallas_call(
        _tc_scale,
        grid=(GRID,),
        in_specs=[_row_spec(D_HID), _DEGP_SPEC],
        out_specs=_row_spec(D_HID),
        out_shape=jax.ShapeDtypeStruct((N_NODES, D_HID), jnp.float32),
    )(xw, degp)

    s1 = _agg_call(y1, ei, zeros64)

    y2 = pl.pallas_call(
        _tc_mid,
        grid=(GRID,),
        in_specs=[_SP_SPEC, _row_spec(D_HID), _DEGP_SPEC,
                  _full((D_HID, D_HID)), _full((1, D_HID))],
        out_specs=_row_spec(D_HID),
        out_shape=jax.ShapeDtypeStruct((N_NODES, D_HID), jnp.float32),
    )(s1, y1, degp, W2, b2r)

    s2 = _agg_call(y2, ei, zeros64)

    impact, likelihood = pl.pallas_call(
        _tc_head,
        grid=(GRID,),
        in_specs=[_SP_SPEC, _row_spec(D_HID), _DEGP_SPEC, _full((1, D_HID)),
                  _full((D_HID, N_CLS)), _full((1, N_CLS)),
                  _full((D_HID, N_CLS)), _full((1, N_CLS))],
        out_specs=[_row_spec(N_CLS), _row_spec(N_CLS)],
        out_shape=[jax.ShapeDtypeStruct((N_NODES, N_CLS), jnp.float32),
                   jax.ShapeDtypeStruct((N_NODES, N_CLS), jnp.float32)],
    )(s2, y2, degp, b2r, Wi, bir, Wl, blr)

    return (impact, likelihood)

# --- scband reference (transcript-rebuilt; emitter-appended) ---
"""Pipeline reference for scband-risk-analyzer-gcn-35682588295886 (READ-ONLY COPY).

The authoritative reference and input builder live on the scoring server;
editing this copy changes nothing except your own understanding.
"""

import jax, jax.numpy as jnp
import numpy as np

N_NODES = 10000
N_EDGES = 320000
D_IN = 128
D_HID = 64
N_CLS = 6


def _glorot(key, shape):
    fan_in, fan_out = shape[0], shape[1]
    limit = np.sqrt(6.0 / (fan_in + fan_out))
    return jax.random.uniform(key, shape, dtype=jnp.float32, minval=-limit, maxval=limit)


def setup_inputs(seed: int = 0) -> dict:
    key = jax.random.key(seed)
    ks = jax.random.split(key, 10)
    x = jax.random.normal(ks[0], (N_NODES, D_IN), dtype=jnp.float32)
    edge_index = jax.random.randint(ks[1], (2, N_EDGES), 0, N_NODES, dtype=jnp.int64)
    W1 = _glorot(ks[2], (D_IN, D_HID))
    b1 = jnp.zeros((D_HID,), dtype=jnp.float32)
    W2 = _glorot(ks[3], (D_HID, D_HID))
    b2 = jnp.zeros((D_HID,), dtype=jnp.float32)
    Wi = _glorot(ks[4], (D_HID, N_CLS))
    bi = jnp.zeros((N_CLS,), dtype=jnp.float32)
    Wl = _glorot(ks[5], (D_HID, N_CLS))
    bl = jnp.zeros((N_CLS,), dtype=jnp.float32)
    return {"x": x, "edge_index": edge_index, "W1": W1, "b1": b1, "W2": W2, "b2": b2, "Wi": Wi, "bi": bi, "Wl": Wl, "bl": bl}


def _gcn_conv(x, src, dst, norm, W, b):
    # PyG GCNConv: linear transform (no bias), symmetric-normalized scatter-add, then bias
    xw = x @ W
    msg = xw[src] * norm[:, None]
    out = jnp.zeros((x.shape[0], W.shape[1]), dtype=x.dtype).at[dst].add(msg)
    return out + b


def reference(x, edge_index, W1, b1, W2, b2, Wi, bi, Wl, bl):
    num_nodes = x.shape[0]
    ei = jnp.clip(edge_index, 0, num_nodes - 1)
    src0, dst0 = ei[0], ei[1]
    # add self-loops (GCNConv default add_self_loops=True)
    loop = jnp.arange(num_nodes, dtype=src0.dtype)
    src = jnp.concatenate([src0, loop])
    dst = jnp.concatenate([dst0, loop])
    deg = jnp.zeros((num_nodes,), dtype=jnp.float32).at[dst].add(1.0)
    dinv = jnp.where(deg > 0, deg ** -0.5, 0.0)
    norm = dinv[src] * dinv[dst]
    h = jax.nn.relu(_gcn_conv(x, src, dst, norm, W1, b1))
    # dropout is identity in eval mode
    h = jax.nn.relu(_gcn_conv(h, src, dst, norm, W2, b2))
    impact = jax.nn.log_softmax(h @ Wi + bi, axis=1)
    likelihood = jax.nn.log_softmax(h @ Wl + bl, axis=1)
    return (impact, likelihood)

if __name__ == "__main__":
    import jax
    _d = setup_inputs()
    print(jax.jit(kernel)(*tuple(_d.values())))

</pallas_src>

<mosaic_0001>
#map = affine_map<(d0, d1) -> (0, 0, 0, 0)>
#map1 = affine_map<(d0, d1) -> (0, 0)>
#map2 = affine_map<(d0, d1) -> (0, 0, 0)>
module attributes {stable_mosaic.version = 14 : i64} {
  func.func @_deg_body(%arg0: i32, %arg1: i32, %arg2: memref<2x32x80x125xi32, #tpu.memory_space<hbm>>, %arg3: memref<125x16xf32, #tpu.memory_space<hbm>>, %arg4: memref<625x16xf32, #tpu.memory_space<hbm>>, %arg5: memref<2x10000x16xf32, #tpu.memory_space<hbm>>, %arg6: memref<80x125xi32, #tpu.memory_space<vmem>>, %arg7: memref<125x16xf32, #tpu.memory_space<vmem>>, %arg8: memref<625x16xf32, #tpu.memory_space<vmem>>, %arg9: memref<!tpu.dma_semaphore, #tpu.memory_space<semaphore_mem>>, %arg10: memref<10000x16xf32, #tpu.memory_space<vmem_shared>>) attributes {dimension_semantics = [#tpu.dimension_semantics<core_parallel>, #tpu.dimension_semantics<subcore_parallel>], iteration_bounds = array<i64: 2, 16>, scalar_prefetch = 0 : i64, scratch_operands = 5 : i64, tpu.core_type = #tpu.core_type<sc_vector_subcore>, window_params = [{transform_indices = #map}, {transform_indices = #map1}, {transform_indices = #map1}, {transform_indices = #map2}]} {
    %mul3A = arith.constant 2 : i32
    %mul3A_0 = arith.muli %arg1, %mul3A : i32
    %add3A = arith.addi %mul3A_0, %arg0 : i32
    "tpu.region"() ({
      %run_scoped3A_19 = tpu.sem_alloc : memref<!tpu.dma_semaphore, #tpu.memory_space<semaphore_mem>>
      tpu.enqueue_dma source(%arg4 : memref<625x16xf32, #tpu.memory_space<hbm>>) target(%arg8 : memref<625x16xf32, #tpu.memory_space<vmem>>) target_semaphore(%run_scoped3A_19 : memref<!tpu.dma_semaphore, #tpu.memory_space<semaphore_mem>>)
      tpu.wait_dma2 semaphore(%run_scoped3A_19 : memref<!tpu.dma_semaphore, #tpu.memory_space<semaphore_mem>>) src(%arg4 : memref<625x16xf32, #tpu.memory_space<hbm>>) dst(%arg8 : memref<625x16xf32, #tpu.memory_space<vmem>>)
      tpu.yield
    }) : () -> ()
    %mul3A_1 = arith.constant 625 : i32
    %mul3A_2 = arith.muli %arg1, %mul3A_1 : i32
    "tpu.region"() ({
      %run_scoped3A_19 = tpu.sem_alloc : memref<!tpu.dma_semaphore, #tpu.memory_space<semaphore_mem>>
      %dma_start3A = arith.constant 0 : i32
      %dma_start3A_20 = tpu.memref_slice %arg10[%mul3A_2, %dma_start3A] : memref<10000x16xf32, #tpu.memory_space<vmem_shared>> -> memref<625x16xf32, #tpu.memory_space<vmem_shared>>
      %dma_start3A_21 = arith.constant 0 : i32
      %dma_start3A_22 = tpu.memref_slice %arg10[%mul3A_2, %dma_start3A_21] : memref<10000x16xf32, #tpu.memory_space<vmem_shared>> -> memref<625x16xf32, #tpu.memory_space<vmem_shared>>
      tpu.enqueue_dma source(%arg8 : memref<625x16xf32, #tpu.memory_space<vmem>>) target(%dma_start3A_22 : memref<625x16xf32, #tpu.memory_space<vmem_shared>>) target_semaphore(%run_scoped3A_19 : memref<!tpu.dma_semaphore, #tpu.memory_space<semaphore_mem>>)
      %dma_wait3A = arith.constant 0 : i32
      %dma_wait3A_23 = tpu.memref_slice %arg10[%mul3A_2, %dma_wait3A] : memref<10000x16xf32, #tpu.memory_space<vmem_shared>> -> memref<625x16xf32, #tpu.memory_space<vmem_shared>>
      %dma_wait3A_24 = arith.constant 0 : i32
      %dma_wait3A_25 = tpu.memref_slice %arg10[%mul3A_2, %dma_wait3A_24] : memref<10000x16xf32, #tpu.memory_space<vmem_shared>> -> memref<625x16xf32, #tpu.memory_space<vmem_shared>>
      tpu.wait_dma2 semaphore(%run_scoped3A_19 : memref<!tpu.dma_semaphore, #tpu.memory_space<semaphore_mem>>) src(%arg8 : memref<625x16xf32, #tpu.memory_space<vmem>>) dst(%dma_wait3A_25 : memref<625x16xf32, #tpu.memory_space<vmem_shared>>)
      tpu.yield
    }) : () -> ()
    "tpu.region"() ({
      %run_scoped3A_19 = tpu.sem_alloc : memref<!tpu.dma_semaphore, #tpu.memory_space<semaphore_mem>>
      tpu.enqueue_dma source(%arg3 : memref<125x16xf32, #tpu.memory_space<hbm>>) target(%arg7 : memref<125x16xf32, #tpu.memory_space<vmem>>) target_semaphore(%run_scoped3A_19 : memref<!tpu.dma_semaphore, #tpu.memory_space<semaphore_mem>>)
      tpu.wait_dma2 semaphore(%run_scoped3A_19 : memref<!tpu.dma_semaphore, #tpu.memory_space<semaphore_mem>>) src(%arg3 : memref<125x16xf32, #tpu.memory_space<hbm>>) dst(%arg7 : memref<125x16xf32, #tpu.memory_space<vmem>>)
      tpu.yield
    }) : () -> ()
    %run_scoped3A = arith.constant 1 : i32
    "tpu.region"() ({
      %run_scoped3A_19 = tpu.sem_alloc : memref<!tpu.dma_semaphore, #tpu.memory_space<semaphore_mem>>
      %dma_start3A = arith.constant 0 : i32
      %dma_start3A_20 = arith.constant 0 : i32
      %dma_start3A_21 = tpu.memref_slice %arg2[%run_scoped3A, %add3A, %dma_start3A, %dma_start3A_20] : memref<2x32x80x125xi32, #tpu.memory_space<hbm>> -> memref<1x1x80x125xi32, #tpu.memory_space<hbm>>
      %dma_start3A_22 = tpu.memref_squeeze %dma_start3A_21 : memref<1x1x80x125xi32, #tpu.memory_space<hbm>> -> memref<80x125xi32, #tpu.memory_space<hbm>>
      %dma_start3A_23 = arith.constant 0 : i32
      %dma_start3A_24 = arith.constant 0 : i32
      %dma_start3A_25 = tpu.memref_slice %arg2[%run_scoped3A, %add3A, %dma_start3A_23, %dma_start3A_24] : memref<2x32x80x125xi32, #tpu.memory_space<hbm>> -> memref<1x1x80x125xi32, #tpu.memory_space<hbm>>
      %dma_start3A_26 = tpu.memref_squeeze %dma_start3A_25 : memref<1x1x80x125xi32, #tpu.memory_space<hbm>> -> memref<80x125xi32, #tpu.memory_space<hbm>>
      tpu.enqueue_dma source(%dma_start3A_26 : memref<80x125xi32, #tpu.memory_space<hbm>>) target(%arg6 : memref<80x125xi32, #tpu.memory_space<vmem>>) target_semaphore(%run_scoped3A_19 : memref<!tpu.dma_semaphore, #tpu.memory_space<semaphore_mem>>)
      %dma_wait3A = arith.constant 0 : i32
      %dma_wait3A_27 = arith.constant 0 : i32
      %dma_wait3A_28 = tpu.memref_slice %arg2[%run_scoped3A, %add3A, %dma_wait3A, %dma_wait3A_27] : memref<2x32x80x125xi32, #tpu.memory_space<hbm>> -> memref<1x1x80x125xi32, #tpu.memory_space<hbm>>
      %dma_wait3A_29 = tpu.memref_squeeze %dma_wait3A_28 : memref<1x1x80x125xi32, #tpu.memory_space<hbm>> -> memref<80x125xi32, #tpu.memory_space<hbm>>
      %dma_wait3A_30 = arith.constant 0 : i32
      %dma_wait3A_31 = arith.constant 0 : i32
      %dma_wait3A_32 = tpu.memref_slice %arg2[%run_scoped3A, %add3A, %dma_wait3A_30, %dma_wait3A_31] : memref<2x32x80x125xi32, #tpu.memory_space<hbm>> -> memref<1x1x80x125xi32, #tpu.memory_space<hbm>>
      %dma_wait3A_33 = tpu.memref_squeeze %dma_wait3A_32 : memref<1x1x80x125xi32, #tpu.memory_space<hbm>> -> memref<80x125xi32, #tpu.memory_space<hbm>>
      tpu.wait_dma2 semaphore(%run_scoped3A_19 : memref<!tpu.dma_semaphore, #tpu.memory_space<semaphore_mem>>) src(%dma_wait3A_33 : memref<80x125xi32, #tpu.memory_space<hbm>>) dst(%arg6 : memref<80x125xi32, #tpu.memory_space<vmem>>)
      tpu.yield
    }) : () -> ()
    %barrier3A = arith.constant 0 : index
    tpu.barrier barrier_id(%barrier3A)
    %scan3A = arith.constant 0 : i32
    %scan3A_3 = arith.constant 0 : i32
    %scan3A_4 = arith.constant 80 : i32
    %scan3A_5 = arith.addi %scan3A_3, %scan3A_4 : i32
    %scan3A_6 = arith.constant 1 : i32
    scf.for %scan3A_19 = %scan3A_3 to %scan3A_5 step %scan3A_6  : i32 {
      %dma_start3A = arith.constant 0 : i32
      %dma_start3A_20 = tpu.memref_slice %arg6[%scan3A_19, %dma_start3A] : memref<80x125xi32, #tpu.memory_space<vmem>> -> memref<1x125xi32, #tpu.memory_space<vmem>>
      %dma_start3A_21 = tpu.memref_squeeze %dma_start3A_20 : memref<1x125xi32, #tpu.memory_space<vmem>> -> memref<125xi32, #tpu.memory_space<vmem>>
      %dma_start3A_22 = arith.constant 0 : i32
      %dma_start3A_23 = arith.constant 0 : i32
      %dma_start3A_24 = tpu.memref_slice %arg10[%dma_start3A_22, %dma_start3A_23] : memref<10000x16xf32, #tpu.memory_space<vmem_shared>> -> memref<10000x16xf32, #tpu.memory_space<vmem_shared>>
      tpu.enqueue_indirect_dma source(%arg7 : memref<125x16xf32, #tpu.memory_space<vmem>>) target(%dma_start3A_24 : memref<10000x16xf32, #tpu.memory_space<vmem_shared>>) offsets(%dma_start3A_21 : memref<125xi32, #tpu.memory_space<vmem>>) semaphore(%arg9 : memref<!tpu.dma_semaphore, #tpu.memory_space<semaphore_mem>>) {add = true}
    }
    %scan3A_7 = arith.constant 80 : i32
    %scan3A_8 = arith.constant 0 : i32
    %scan3A_9 = arith.constant 0 : i32
    %scan3A_10 = arith.constant 80 : i32
    %scan3A_11 = arith.addi %scan3A_9, %scan3A_10 : i32
    %scan3A_12 = arith.constant 1 : i32
    scf.for %scan3A_19 = %scan3A_9 to %scan3A_11 step %scan3A_12  : i32 {
      %dma_wait3A = arith.constant 0 : i32
      %dma_wait3A_20 = tpu.memref_slice %arg6[%scan3A_19, %dma_wait3A] : memref<80x125xi32, #tpu.memory_space<vmem>> -> memref<1x125xi32, #tpu.memory_space<vmem>>
      %dma_wait3A_21 = tpu.memref_squeeze %dma_wait3A_20 : memref<1x125xi32, #tpu.memory_space<vmem>> -> memref<125xi32, #tpu.memory_space<vmem>>
      %dma_wait3A_22 = arith.constant 0 : i32
      %dma_wait3A_23 = arith.constant 0 : i32
      %dma_wait3A_24 = tpu.memref_slice %arg10[%dma_wait3A_22, %dma_wait3A_23] : memref<10000x16xf32, #tpu.memory_space<vmem_shared>> -> memref<10000x16xf32, #tpu.memory_space<vmem_shared>>
      tpu.wait_indirect_dma semaphore(%arg9 : memref<!tpu.dma_semaphore, #tpu.memory_space<semaphore_mem>>) src(%arg7 : memref<125x16xf32, #tpu.memory_space<vmem>>) dst(%dma_wait3A_24 : memref<10000x16xf32, #tpu.memory_space<vmem_shared>>)
    }
    %scan3A_13 = arith.constant 80 : i32
    %barrier3A_14 = arith.constant 0 : index
    tpu.barrier barrier_id(%barrier3A_14)
    %mul3A_15 = arith.constant 625 : i32
    %mul3A_16 = arith.muli %arg1, %mul3A_15 : i32
    "tpu.region"() ({
      %run_scoped3A_19 = tpu.sem_alloc : memref<!tpu.dma_semaphore, #tpu.memory_space<semaphore_mem>>
      %dma_start3A = arith.constant 0 : i32
      %dma_start3A_20 = tpu.memref_slice %arg10[%mul3A_16, %dma_start3A] : memref<10000x16xf32, #tpu.memory_space<vmem_shared>> -> memref<625x16xf32, #tpu.memory_space<vmem_shared>>
      %dma_start3A_21 = arith.constant 0 : i32
      %dma_start3A_22 = tpu.memref_slice %arg10[%mul3A_16, %dma_start3A_21] : memref<10000x16xf32, #tpu.memory_space<vmem_shared>> -> memref<625x16xf32, #tpu.memory_space<vmem_shared>>
      tpu.enqueue_dma source(%dma_start3A_22 : memref<625x16xf32, #tpu.memory_space<vmem_shared>>) target(%arg8 : memref<625x16xf32, #tpu.memory_space<vmem>>) target_semaphore(%run_scoped3A_19 : memref<!tpu.dma_semaphore, #tpu.memory_space<semaphore_mem>>)
      %dma_wait3A = arith.constant 0 : i32
      %dma_wait3A_23 = tpu.memref_slice %arg10[%mul3A_16, %dma_wait3A] : memref<10000x16xf32, #tpu.memory_space<vmem_shared>> -> memref<625x16xf32, #tpu.memory_space<vmem_shared>>
      %dma_wait3A_24 = arith.constant 0 : i32
      %dma_wait3A_25 = tpu.memref_slice %arg10[%mul3A_16, %dma_wait3A_24] : memref<10000x16xf32, #tpu.memory_space<vmem_shared>> -> memref<625x16xf32, #tpu.memory_space<vmem_shared>>
      tpu.wait_dma2 semaphore(%run_scoped3A_19 : memref<!tpu.dma_semaphore, #tpu.memory_space<semaphore_mem>>) src(%dma_wait3A_25 : memref<625x16xf32, #tpu.memory_space<vmem_shared>>) dst(%arg8 : memref<625x16xf32, #tpu.memory_space<vmem>>)
      tpu.yield
    }) : () -> ()
    %mul3A_17 = arith.constant 625 : i32
    %mul3A_18 = arith.muli %arg1, %mul3A_17 : i32
    "tpu.region"() ({
      %run_scoped3A_19 = tpu.sem_alloc : memref<!tpu.dma_semaphore, #tpu.memory_space<semaphore_mem>>
      %dma_start3A = arith.constant 0 : i32
      %dma_start3A_20 = tpu.memref_slice %arg5[%arg0, %mul3A_18, %dma_start3A] : memref<2x10000x16xf32, #tpu.memory_space<hbm>> -> memref<1x625x16xf32, #tpu.memory_space<hbm>>
      %dma_start3A_21 = tpu.memref_squeeze %dma_start3A_20 : memref<1x625x16xf32, #tpu.memory_space<hbm>> -> memref<625x16xf32, #tpu.memory_space<hbm>>
      %dma_start3A_22 = arith.constant 0 : i32
      %dma_start3A_23 = tpu.memref_slice %arg5[%arg0, %mul3A_18, %dma_start3A_22] : memref<2x10000x16xf32, #tpu.memory_space<hbm>> -> memref<1x625x16xf32, #tpu.memory_space<hbm>>
      %dma_start3A_24 = tpu.memref_squeeze %dma_start3A_23 : memref<1x625x16xf32, #tpu.memory_space<hbm>> -> memref<625x16xf32, #tpu.memory_space<hbm>>
      tpu.enqueue_dma source(%arg8 : memref<625x16xf32, #tpu.memory_space<vmem>>) target(%dma_start3A_24 : memref<625x16xf32, #tpu.memory_space<hbm>>) target_semaphore(%run_scoped3A_19 : memref<!tpu.dma_semaphore, #tpu.memory_space<semaphore_mem>>)
      %dma_wait3A = arith.constant 0 : i32
      %dma_wait3A_25 = tpu.memref_slice %arg5[%arg0, %mul3A_18, %dma_wait3A] : memref<2x10000x16xf32, #tpu.memory_space<hbm>> -> memref<1x625x16xf32, #tpu.memory_space<hbm>>
      %dma_wait3A_26 = tpu.memref_squeeze %dma_wait3A_25 : memref<1x625x16xf32, #tpu.memory_space<hbm>> -> memref<625x16xf32, #tpu.memory_space<hbm>>
      %dma_wait3A_27 = arith.constant 0 : i32
      %dma_wait3A_28 = tpu.memref_slice %arg5[%arg0, %mul3A_18, %dma_wait3A_27] : memref<2x10000x16xf32, #tpu.memory_space<hbm>> -> memref<1x625x16xf32, #tpu.memory_space<hbm>>
      %dma_wait3A_29 = tpu.memref_squeeze %dma_wait3A_28 : memref<1x625x16xf32, #tpu.memory_space<hbm>> -> memref<625x16xf32, #tpu.memory_space<hbm>>
      tpu.wait_dma2 semaphore(%run_scoped3A_19 : memref<!tpu.dma_semaphore, #tpu.memory_space<semaphore_mem>>) src(%arg8 : memref<625x16xf32, #tpu.memory_space<vmem>>) dst(%dma_wait3A_29 : memref<625x16xf32, #tpu.memory_space<hbm>>)
      tpu.yield
    }) : () -> ()
    return
  }
}

#map = affine_map<(d0, d1) -> (0, 0)>
#map1 = affine_map<(d0, d1) -> (0, 0, 0, 0)>
#map2 = affine_map<(d0, d1) -> (0, 0, 0)>
module attributes {stable_mosaic.version = 14 : i64} {
  func.func @_agg_body(%arg0: i32, %arg1: i32, %arg2: memref<10000x64xf32, #tpu.memory_space<hbm>>, %arg3: memref<2x32x80x125xi32, #tpu.memory_space<hbm>>, %arg4: memref<125x64xf32, #tpu.memory_space<hbm>>, %arg5: memref<2x10000x64xf32, #tpu.memory_space<hbm>>, %arg6: memref<80x125xi32, #tpu.memory_space<vmem>>, %arg7: memref<80x125xi32, #tpu.memory_space<vmem>>, %arg8: memref<2x125x64xf32, #tpu.memory_space<vmem>>, %arg9: memref<125x64xf32, #tpu.memory_space<vmem>>, %arg10: memref<2x!tpu.dma_semaphore, #tpu.memory_space<semaphore_mem>>, %arg11: memref<10000x64xf32, #tpu.memory_space<vmem_shared>>, %arg12: memref<10000x64xf32, #tpu.memory_space<vmem_shared>>) attributes {dimension_semantics = [#tpu.dimension_semantics<core_parallel>, #tpu.dimension_semantics<subcore_parallel>], iteration_bounds = array<i64: 2, 16>, scalar_prefetch = 0 : i64, scratch_operands = 7 : i64, tpu.core_type = #tpu.core_type<sc_vector_subcore>, window_params = [{transform_indices = #map}, {transform_indices = #map1}, {transform_indices = #map}, {transform_indices = #map2}]} {
    %mul3A = arith.constant 2 : i32
    %mul3A_0 = arith.muli %arg1, %mul3A : i32
    %add3A = arith.addi %mul3A_0, %arg0 : i32
    %mul3A_1 = arith.constant 625 : i32
    %mul3A_2 = arith.muli %arg1, %mul3A_1 : i32
    "tpu.region"() ({
      %run_scoped3A_64 = tpu.sem_alloc : memref<!tpu.dma_semaphore, #tpu.memory_space<semaphore_mem>>
      %dma_start3A_65 = arith.constant 0 : i32
      %dma_start3A_66 = tpu.memref_slice %arg12[%mul3A_2, %dma_start3A_65] : memref<10000x64xf32, #tpu.memory_space<vmem_shared>> -> memref<625x64xf32, #tpu.memory_space<vmem_shared>>
      %dma_start3A_67 = arith.constant 0 : i32
      %dma_start3A_68 = tpu.memref_slice %arg2[%mul3A_2, %dma_start3A_67] : memref<10000x64xf32, #tpu.memory_space<hbm>> -> memref<625x64xf32, #tpu.memory_space<hbm>>
      tpu.enqueue_dma source(%dma_start3A_68 : memref<625x64xf32, #tpu.memory_space<hbm>>) target(%dma_start3A_66 : memref<625x64xf32, #tpu.memory_space<vmem_shared>>) target_semaphore(%run_scoped3A_64 : memref<!tpu.dma_semaphore, #tpu.memory_space<semaphore_mem>>)
      %dma_wait3A = arith.constant 0 : i32
      %dma_wait3A_69 = tpu.memref_slice %arg12[%mul3A_2, %dma_wait3A] : memref<10000x64xf32, #tpu.memory_space<vmem_shared>> -> memref<625x64xf32, #tpu.memory_space<vmem_shared>>
      %dma_wait3A_70 = arith.constant 0 : i32
      %dma_wait3A_71 = tpu.memref_slice %arg2[%mul3A_2, %dma_wait3A_70] : memref<10000x64xf32, #tpu.memory_space<hbm>> -> memref<625x64xf32, #tpu.memory_space<hbm>>
      tpu.wait_dma2 semaphore(%run_scoped3A_64 : memref<!tpu.dma_semaphore, #tpu.memory_space<semaphore_mem>>) src(%dma_wait3A_71 : memref<625x64xf32, #tpu.memory_space<hbm>>) dst(%dma_wait3A_69 : memref<625x64xf32, #tpu.memory_space<vmem_shared>>)
      tpu.yield
    }) : () -> ()
    "tpu.region"() ({
      %run_scoped3A_64 = tpu.sem_alloc : memref<!tpu.dma_semaphore, #tpu.memory_space<semaphore_mem>>
      tpu.enqueue_dma source(%arg4 : memref<125x64xf32, #tpu.memory_space<hbm>>) target(%arg9 : memref<125x64xf32, #tpu.memory_space<vmem>>) target_semaphore(%run_scoped3A_64 : memref<!tpu.dma_semaphore, #tpu.memory_space<semaphore_mem>>)
      tpu.wait_dma2 semaphore(%run_scoped3A_64 : memref<!tpu.dma_semaphore, #tpu.memory_space<semaphore_mem>>) src(%arg4 : memref<125x64xf32, #tpu.memory_space<hbm>>) dst(%arg9 : memref<125x64xf32, #tpu.memory_space<vmem>>)
      tpu.yield
    }) : () -> ()
    %mul3A_3 = arith.constant 625 : i32
    %mul3A_4 = arith.muli %arg1, %mul3A_3 : i32
    %add3A_5 = arith.constant 0 : i32
    %add3A_6 = arith.addi %mul3A_4, %add3A_5 : i32
    "tpu.region"() ({
      %run_scoped3A_64 = tpu.sem_alloc : memref<!tpu.dma_semaphore, #tpu.memory_space<semaphore_mem>>
      %dma_start3A_65 = arith.constant 0 : i32
      %dma_start3A_66 = tpu.memref_slice %arg11[%add3A_6, %dma_start3A_65] : memref<10000x64xf32, #tpu.memory_space<vmem_shared>> -> memref<125x64xf32, #tpu.memory_space<vmem_shared>>
      %dma_start3A_67 = arith.constant 0 : i32
      %dma_start3A_68 = tpu.memref_slice %arg11[%add3A_6, %dma_start3A_67] : memref<10000x64xf32, #tpu.memory_space<vmem_shared>> -> memref<125x64xf32, #tpu.memory_space<vmem_shared>>
      tpu.enqueue_dma source(%arg9 : memref<125x64xf32, #tpu.memory_space<vmem>>) target(%dma_start3A_68 : memref<125x64xf32, #tpu.memory_space<vmem_shared>>) target_semaphore(%run_scoped3A_64 : memref<!tpu.dma_semaphore, #tpu.memory_space<semaphore_mem>>)
      %dma_wait3A = arith.constant 0 : i32
      %dma_wait3A_69 = tpu.memref_slice %arg11[%add3A_6, %dma_wait3A] : memref<10000x64xf32, #tpu.memory_space<vmem_shared>> -> memref<125x64xf32, #tpu.memory_space<vmem_shared>>
      %dma_wait3A_70 = arith.constant 0 : i32
      %dma_wait3A_71 = tpu.memref_slice %arg11[%add3A_6, %dma_wait3A_70] : memref<10000x64xf32, #tpu.memory_space<vmem_shared>> -> memref<125x64xf32, #tpu.memory_space<vmem_shared>>
      tpu.wait_dma2 semaphore(%run_scoped3A_64 : memref<!tpu.dma_semaphore, #tpu.memory_space<semaphore_mem>>) src(%arg9 : memref<125x64xf32, #tpu.memory_space<vmem>>) dst(%dma_wait3A_71 : memref<125x64xf32, #tpu.memory_space<vmem_shared>>)
      tpu.yield
    }) : () -> ()
    %mul3A_7 = arith.constant 625 : i32
    %mul3A_8 = arith.muli %arg1, %mul3A_7 : i32
    %add3A_9 = arith.constant 125 : i32
    %add3A_10 = arith.addi %mul3A_8, %add3A_9 : i32
    "tpu.region"() ({
      %run_scoped3A_64 = tpu.sem_alloc : memref<!tpu.dma_semaphore, #tpu.memory_space<semaphore_mem>>
      %dma_start3A_65 = arith.constant 0 : i32
      %dma_start3A_66 = tpu.memref_slice %arg11[%add3A_10, %dma_start3A_65] : memref<10000x64xf32, #tpu.memory_space<vmem_shared>> -> memref<125x64xf32, #tpu.memory_space<vmem_shared>>
      %dma_start3A_67 = arith.constant 0 : i32
      %dma_start3A_68 = tpu.memref_slice %arg11[%add3A_10, %dma_start3A_67] : memref<10000x64xf32, #tpu.memory_space<vmem_shared>> -> memref<125x64xf32, #tpu.memory_space<vmem_shared>>
      tpu.enqueue_dma source(%arg9 : memref<125x64xf32, #tpu.memory_space<vmem>>) target(%dma_start3A_68 : memref<125x64xf32, #tpu.memory_space<vmem_shared>>) target_semaphore(%run_scoped3A_64 : memref<!tpu.dma_semaphore, #tpu.memory_space<semaphore_mem>>)
      %dma_wait3A = arith.constant 0 : i32
      %dma_wait3A_69 = tpu.memref_slice %arg11[%add3A_10, %dma_wait3A] : memref<10000x64xf32, #tpu.memory_space<vmem_shared>> -> memref<125x64xf32, #tpu.memory_space<vmem_shared>>
      %dma_wait3A_70 = arith.constant 0 : i32
      %dma_wait3A_71 = tpu.memref_slice %arg11[%add3A_10, %dma_wait3A_70] : memref<10000x64xf32, #tpu.memory_space<vmem_shared>> -> memref<125x64xf32, #tpu.memory_space<vmem_shared>>
      tpu.wait_dma2 semaphore(%run_scoped3A_64 : memref<!tpu.dma_semaphore, #tpu.memory_space<semaphore_mem>>) src(%arg9 : memref<125x64xf32, #tpu.memory_space<vmem>>) dst(%dma_wait3A_71 : memref<125x64xf32, #tpu.memory_space<vmem_shared>>)
      tpu.yield
    }) : () -> ()
    %mul3A_11 = arith.constant 625 : i32
    %mul3A_12 = arith.muli %arg1, %mul3A_11 : i32
    %add3A_13 = arith.constant 250 : i32
    %add3A_14 = arith.addi %mul3A_12, %add3A_13 : i32
    "tpu.region"() ({
      %run_scoped3A_64 = tpu.sem_alloc : memref<!tpu.dma_semaphore, #tpu.memory_space<semaphore_mem>>
      %dma_start3A_65 = arith.constant 0 : i32
      %dma_start3A_66 = tpu.memref_slice %arg11[%add3A_14, %dma_start3A_65] : memref<10000x64xf32, #tpu.memory_space<vmem_shared>> -> memref<125x64xf32, #tpu.memory_space<vmem_shared>>
      %dma_start3A_67 = arith.constant 0 : i32
      %dma_start3A_68 = tpu.memref_slice %arg11[%add3A_14, %dma_start3A_67] : memref<10000x64xf32, #tpu.memory_space<vmem_shared>> -> memref<125x64xf32, #tpu.memory_space<vmem_shared>>
      tpu.enqueue_dma source(%arg9 : memref<125x64xf32, #tpu.memory_space<vmem>>) target(%dma_start3A_68 : memref<125x64xf32, #tpu.memory_space<vmem_shared>>) target_semaphore(%run_scoped3A_64 : memref<!tpu.dma_semaphore, #tpu.memory_space<semaphore_mem>>)
      %dma_wait3A = arith.constant 0 : i32
      %dma_wait3A_69 = tpu.memref_slice %arg11[%add3A_14, %dma_wait3A] : memref<10000x64xf32, #tpu.memory_space<vmem_shared>> -> memref<125x64xf32, #tpu.memory_space<vmem_shared>>
      %dma_wait3A_70 = arith.constant 0 : i32
      %dma_wait3A_71 = tpu.memref_slice %arg11[%add3A_14, %dma_wait3A_70] : memref<10000x64xf32, #tpu.memory_space<vmem_shared>> -> memref<125x64xf32, #tpu.memory_space<vmem_shared>>
      tpu.wait_dma2 semaphore(%run_scoped3A_64 : memref<!tpu.dma_semaphore, #tpu.memory_space<semaphore_mem>>) src(%arg9 : memref<125x64xf32, #tpu.memory_space<vmem>>) dst(%dma_wait3A_71 : memref<125x64xf32, #tpu.memory_space<vmem_shared>>)
      tpu.yield
    }) : () -> ()
    %mul3A_15 = arith.constant 625 : i32
    %mul3A_16 = arith.muli %arg1, %mul3A_15 : i32
    %add3A_17 = arith.constant 375 : i32
    %add3A_18 = arith.addi %mul3A_16, %add3A_17 : i32
    "tpu.region"() ({
      %run_scoped3A_64 = tpu.sem_alloc : memref<!tpu.dma_semaphore, #tpu.memory_space<semaphore_mem>>
      %dma_start3A_65 = arith.constant 0 : i32
      %dma_start3A_66 = tpu.memref_slice %arg11[%add3A_18, %dma_start3A_65] : memref<10000x64xf32, #tpu.memory_space<vmem_shared>> -> memref<125x64xf32, #tpu.memory_space<vmem_shared>>
      %dma_start3A_67 = arith.constant 0 : i32
      %dma_start3A_68 = tpu.memref_slice %arg11[%add3A_18, %dma_start3A_67] : memref<10000x64xf32, #tpu.memory_space<vmem_shared>> -> memref<125x64xf32, #tpu.memory_space<vmem_shared>>
      tpu.enqueue_dma source(%arg9 : memref<125x64xf32, #tpu.memory_space<vmem>>) target(%dma_start3A_68 : memref<125x64xf32, #tpu.memory_space<vmem_shared>>) target_semaphore(%run_scoped3A_64 : memref<!tpu.dma_semaphore, #tpu.memory_space<semaphore_mem>>)
      %dma_wait3A = arith.constant 0 : i32
      %dma_wait3A_69 = tpu.memref_slice %arg11[%add3A_18, %dma_wait3A] : memref<10000x64xf32, #tpu.memory_space<vmem_shared>> -> memref<125x64xf32, #tpu.memory_space<vmem_shared>>
      %dma_wait3A_70 = arith.constant 0 : i32
      %dma_wait3A_71 = tpu.memref_slice %arg11[%add3A_18, %dma_wait3A_70] : memref<10000x64xf32, #tpu.memory_space<vmem_shared>> -> memref<125x64xf32, #tpu.memory_space<vmem_shared>>
      tpu.wait_dma2 semaphore(%run_scoped3A_64 : memref<!tpu.dma_semaphore, #tpu.memory_space<semaphore_mem>>) src(%arg9 : memref<125x64xf32, #tpu.memory_space<vmem>>) dst(%dma_wait3A_71 : memref<125x64xf32, #tpu.memory_space<vmem_shared>>)
      tpu.yield
    }) : () -> ()
    %mul3A_19 = arith.constant 625 : i32
    %mul3A_20 = arith.muli %arg1, %mul3A_19 : i32
    %add3A_21 = arith.constant 500 : i32
    %add3A_22 = arith.addi %mul3A_20, %add3A_21 : i32
    "tpu.region"() ({
      %run_scoped3A_64 = tpu.sem_alloc : memref<!tpu.dma_semaphore, #tpu.memory_space<semaphore_mem>>
      %dma_start3A_65 = arith.constant 0 : i32
      %dma_start3A_66 = tpu.memref_slice %arg11[%add3A_22, %dma_start3A_65] : memref<10000x64xf32, #tpu.memory_space<vmem_shared>> -> memref<125x64xf32, #tpu.memory_space<vmem_shared>>
      %dma_start3A_67 = arith.constant 0 : i32
      %dma_start3A_68 = tpu.memref_slice %arg11[%add3A_22, %dma_start3A_67] : memref<10000x64xf32, #tpu.memory_space<vmem_shared>> -> memref<125x64xf32, #tpu.memory_space<vmem_shared>>
      tpu.enqueue_dma source(%arg9 : memref<125x64xf32, #tpu.memory_space<vmem>>) target(%dma_start3A_68 : memref<125x64xf32, #tpu.memory_space<vmem_shared>>) target_semaphore(%run_scoped3A_64 : memref<!tpu.dma_semaphore, #tpu.memory_space<semaphore_mem>>)
      %dma_wait3A = arith.constant 0 : i32
      %dma_wait3A_69 = tpu.memref_slice %arg11[%add3A_22, %dma_wait3A] : memref<10000x64xf32, #tpu.memory_space<vmem_shared>> -> memref<125x64xf32, #tpu.memory_space<vmem_shared>>
      %dma_wait3A_70 = arith.constant 0 : i32
      %dma_wait3A_71 = tpu.memref_slice %arg11[%add3A_22, %dma_wait3A_70] : memref<10000x64xf32, #tpu.memory_space<vmem_shared>> -> memref<125x64xf32, #tpu.memory_space<vmem_shared>>
      tpu.wait_dma2 semaphore(%run_scoped3A_64 : memref<!tpu.dma_semaphore, #tpu.memory_space<semaphore_mem>>) src(%arg9 : memref<125x64xf32, #tpu.memory_space<vmem>>) dst(%dma_wait3A_71 : memref<125x64xf32, #tpu.memory_space<vmem_shared>>)
      tpu.yield
    }) : () -> ()
    %run_scoped3A = arith.constant 0 : i32
    "tpu.region"() ({
      %run_scoped3A_64 = tpu.sem_alloc : memref<!tpu.dma_semaphore, #tpu.memory_space<semaphore_mem>>
      %dma_start3A_65 = arith.constant 0 : i32
      %dma_start3A_66 = arith.constant 0 : i32
      %dma_start3A_67 = tpu.memref_slice %arg3[%run_scoped3A, %add3A, %dma_start3A_65, %dma_start3A_66] : memref<2x32x80x125xi32, #tpu.memory_space<hbm>> -> memref<1x1x80x125xi32, #tpu.memory_space<hbm>>
      %dma_start3A_68 = tpu.memref_squeeze %dma_start3A_67 : memref<1x1x80x125xi32, #tpu.memory_space<hbm>> -> memref<80x125xi32, #tpu.memory_space<hbm>>
      %dma_start3A_69 = arith.constant 0 : i32
      %dma_start3A_70 = arith.constant 0 : i32
      %dma_start3A_71 = tpu.memref_slice %arg3[%run_scoped3A, %add3A, %dma_start3A_69, %dma_start3A_70] : memref<2x32x80x125xi32, #tpu.memory_space<hbm>> -> memref<1x1x80x125xi32, #tpu.memory_space<hbm>>
      %dma_start3A_72 = tpu.memref_squeeze %dma_start3A_71 : memref<1x1x80x125xi32, #tpu.memory_space<hbm>> -> memref<80x125xi32, #tpu.memory_space<hbm>>
      tpu.enqueue_dma source(%dma_start3A_72 : memref<80x125xi32, #tpu.memory_space<hbm>>) target(%arg6 : memref<80x125xi32, #tpu.memory_space<vmem>>) target_semaphore(%run_scoped3A_64 : memref<!tpu.dma_semaphore, #tpu.memory_space<semaphore_mem>>)
      %dma_wait3A = arith.constant 0 : i32
      %dma_wait3A_73 = arith.constant 0 : i32
      %dma_wait3A_74 = tpu.memref_slice %arg3[%run_scoped3A, %add3A, %dma_wait3A, %dma_wait3A_73] : memref<2x32x80x125xi32, #tpu.memory_space<hbm>> -> memref<1x1x80x125xi32, #tpu.memory_space<hbm>>
      %dma_wait3A_75 = tpu.memref_squeeze %dma_wait3A_74 : memref<1x1x80x125xi32, #tpu.memory_space<hbm>> -> memref<80x125xi32, #tpu.memory_space<hbm>>
      %dma_wait3A_76 = arith.constant 0 : i32
      %dma_wait3A_77 = arith.constant 0 : i32
      %dma_wait3A_78 = tpu.memref_slice %arg3[%run_scoped3A, %add3A, %dma_wait3A_76, %dma_wait3A_77] : memref<2x32x80x125xi32, #tpu.memory_space<hbm>> -> memref<1x1x80x125xi32, #tpu.memory_space<hbm>>
      %dma_wait3A_79 = tpu.memref_squeeze %dma_wait3A_78 : memref<1x1x80x125xi32, #tpu.memory_space<hbm>> -> memref<80x125xi32, #tpu.memory_space<hbm>>
      tpu.wait_dma2 semaphore(%run_scoped3A_64 : memref<!tpu.dma_semaphore, #tpu.memory_space<semaphore_mem>>) src(%dma_wait3A_79 : memref<80x125xi32, #tpu.memory_space<hbm>>) dst(%arg6 : memref<80x125xi32, #tpu.memory_space<vmem>>)
      tpu.yield
    }) : () -> ()
    %run_scoped3A_23 = arith.constant 1 : i32
    "tpu.region"() ({
      %run_scoped3A_64 = tpu.sem_alloc : memref<!tpu.dma_semaphore, #tpu.memory_space<semaphore_mem>>
      %dma_start3A_65 = arith.constant 0 : i32
      %dma_start3A_66 = arith.constant 0 : i32
      %dma_start3A_67 = tpu.memref_slice %arg3[%run_scoped3A_23, %add3A, %dma_start3A_65, %dma_start3A_66] : memref<2x32x80x125xi32, #tpu.memory_space<hbm>> -> memref<1x1x80x125xi32, #tpu.memory_space<hbm>>
      %dma_start3A_68 = tpu.memref_squeeze %dma_start3A_67 : memref<1x1x80x125xi32, #tpu.memory_space<hbm>> -> memref<80x125xi32, #tpu.memory_space<hbm>>
      %dma_start3A_69 = arith.constant 0 : i32
      %dma_start3A_70 = arith.constant 0 : i32
      %dma_start3A_71 = tpu.memref_slice %arg3[%run_scoped3A_23, %add3A, %dma_start3A_69, %dma_start3A_70] : memref<2x32x80x125xi32, #tpu.memory_space<hbm>> -> memref<1x1x80x125xi32, #tpu.memory_space<hbm>>
      %dma_start3A_72 = tpu.memref_squeeze %dma_start3A_71 : memref<1x1x80x125xi32, #tpu.memory_space<hbm>> -> memref<80x125xi32, #tpu.memory_space<hbm>>
      tpu.enqueue_dma source(%dma_start3A_72 : memref<80x125xi32, #tpu.memory_space<hbm>>) target(%arg7 : memref<80x125xi32, #tpu.memory_space<vmem>>) target_semaphore(%run_scoped3A_64 : memref<!tpu.dma_semaphore, #tpu.memory_space<semaphore_mem>>)
      %dma_wait3A = arith.constant 0 : i32
      %dma_wait3A_73 = arith.constant 0 : i32
      %dma_wait3A_74 = tpu.memref_slice %arg3[%run_scoped3A_23, %add3A, %dma_wait3A, %dma_wait3A_73] : memref<2x32x80x125xi32, #tpu.memory_space<hbm>> -> memref<1x1x80x125xi32, #tpu.memory_space<hbm>>
      %dma_wait3A_75 = tpu.memref_squeeze %dma_wait3A_74 : memref<1x1x80x125xi32, #tpu.memory_space<hbm>> -> memref<80x125xi32, #tpu.memory_space<hbm>>
      %dma_wait3A_76 = arith.constant 0 : i32
      %dma_wait3A_77 = arith.constant 0 : i32
      %dma_wait3A_78 = tpu.memref_slice %arg3[%run_scoped3A_23, %add3A, %dma_wait3A_76, %dma_wait3A_77] : memref<2x32x80x125xi32, #tpu.memory_space<hbm>> -> memref<1x1x80x125xi32, #tpu.memory_space<hbm>>
      %dma_wait3A_79 = tpu.memref_squeeze %dma_wait3A_78 : memref<1x1x80x125xi32, #tpu.memory_space<hbm>> -> memref<80x125xi32, #tpu.memory_space<hbm>>
      tpu.wait_dma2 semaphore(%run_scoped3A_64 : memref<!tpu.dma_semaphore, #tpu.memory_space<semaphore_mem>>) src(%dma_wait3A_79 : memref<80x125xi32, #tpu.memory_space<hbm>>) dst(%arg7 : memref<80x125xi32, #tpu.memory_space<vmem>>)
      tpu.yield
    }) : () -> ()
    %barrier3A = arith.constant 0 : index
    tpu.barrier barrier_id(%barrier3A)
    %dma_start3A = arith.constant 0 : i32
    %dma_start3A_24 = arith.constant 0 : i32
    %dma_start3A_25 = arith.constant 0 : i32
    %dma_start3A_26 = arith.constant 0 : i32
    %dma_start3A_27 = arith.constant 0 : i32
    %dma_start3A_28 = tpu.memref_slice %arg8[%dma_start3A_24, %dma_start3A_26, %dma_start3A_27] : memref<2x125x64xf32, #tpu.memory_space<vmem>> -> memref<1x125x64xf32, #tpu.memory_space<vmem>>
    %dma_start3A_29 = tpu.memref_squeeze %dma_start3A_28 : memref<1x125x64xf32, #tpu.memory_space<vmem>> -> memref<125x64xf32, #tpu.memory_space<vmem>>
    %dma_start3A_30 = arith.constant 0 : i32
    %dma_start3A_31 = tpu.memref_slice %arg6[%dma_start3A, %dma_start3A_30] : memref<80x125xi32, #tpu.memory_space<vmem>> -> memref<1x125xi32, #tpu.memory_space<vmem>>
    %dma_start3A_32 = tpu.memref_squeeze %dma_start3A_31 : memref<1x125xi32, #tpu.memory_space<vmem>> -> memref<125xi32, #tpu.memory_space<vmem>>
    %dma_start3A_33 = arith.constant 0 : i32
    %dma_start3A_34 = arith.constant 0 : i32
    %dma_start3A_35 = tpu.memref_slice %arg12[%dma_start3A_33, %dma_start3A_34] : memref<10000x64xf32, #tpu.memory_space<vmem_shared>> -> memref<10000x64xf32, #tpu.memory_space<vmem_shared>>
    %dma_start3A_36 = tpu.memref_slice %arg10[%dma_start3A_25] : memref<2x!tpu.dma_semaphore, #tpu.memory_space<semaphore_mem>> -> memref<1x!tpu.dma_semaphore, #tpu.memory_space<semaphore_mem>>
    %dma_start3A_37 = tpu.memref_squeeze %dma_start3A_36 : memref<1x!tpu.dma_semaphore, #tpu.memory_space<semaphore_mem>> -> memref<!tpu.dma_semaphore, #tpu.memory_space<semaphore_mem>>
    tpu.enqueue_indirect_dma source(%dma_start3A_35 : memref<10000x64xf32, #tpu.memory_space<vmem_shared>>) target(%dma_start3A_29 : memref<125x64xf32, #tpu.memory_space<vmem>>) offsets(%dma_start3A_32 : memref<125xi32, #tpu.memory_space<vmem>>) semaphore(%dma_start3A_37 : memref<!tpu.dma_semaphore, #tpu.memory_space<semaphore_mem>>)
    %scan3A = arith.constant 0 : i32
    %scan3A_38 = arith.constant 0 : i32
    %scan3A_39 = arith.constant 80 : i32
    %scan3A_40 = arith.addi %scan3A_38, %scan3A_39 : i32
    %scan3A_41 = arith.constant 1 : i32
    scf.for %scan3A_64 = %scan3A_38 to %scan3A_40 step %scan3A_41  : i32 {
      %rem3A = arith.constant 2 : i32
      %rem3A_65 = arith.remsi %scan3A_64, %rem3A : i32
      %add3A_66 = arith.constant 2 : i32
      %add3A_67 = arith.addi %scan3A_64, %add3A_66 : i32
      %sub3A = arith.constant 1 : i32
      %sub3A_68 = arith.subi %add3A_67, %sub3A : i32
      %lt3A = arith.constant 80 : i32
      %lt3A_69 = arith.cmpi slt, %sub3A_68, %lt3A : i32
      %convert_element_type3A = arith.extui %lt3A_69 : i1 to i32
      %cond3A = arith.constant 0 : i32
      %cond3A_70 = arith.cmpi ne, %convert_element_type3A, %cond3A : i32
      scf.if %cond3A_70 {
        %add3A_82 = arith.constant 2 : i32
        %add3A_83 = arith.addi %scan3A_64, %add3A_82 : i32
        %sub3A_84 = arith.constant 1 : i32
        %sub3A_85 = arith.subi %add3A_83, %sub3A_84 : i32
        %rem3A_86 = arith.constant 2 : i32
        %rem3A_87 = arith.remsi %sub3A_85, %rem3A_86 : i32
        %add3A_88 = arith.constant 2 : i32
        %add3A_89 = arith.addi %scan3A_64, %add3A_88 : i32
        %sub3A_90 = arith.constant 1 : i32
        %sub3A_91 = arith.subi %add3A_89, %sub3A_90 : i32
        %dma_start3A_92 = arith.constant 0 : i32
        %dma_start3A_93 = arith.constant 0 : i32
        %dma_start3A_94 = tpu.memref_slice %arg8[%rem3A_87, %dma_start3A_92, %dma_start3A_93] : memref<2x125x64xf32, #tpu.memory_space<vmem>> -> memref<1x125x64xf32, #tpu.memory_space<vmem>>
        %dma_start3A_95 = tpu.memref_squeeze %dma_start3A_94 : memref<1x125x64xf32, #tpu.memory_space<vmem>> -> memref<125x64xf32, #tpu.memory_space<vmem>>
        %dma_start3A_96 = arith.constant 0 : i32
        %dma_start3A_97 = tpu.memref_slice %arg6[%sub3A_91, %dma_start3A_96] : memref<80x125xi32, #tpu.memory_space<vmem>> -> memref<1x125xi32, #tpu.memory_space<vmem>>
        %dma_start3A_98 = tpu.memref_squeeze %dma_start3A_97 : memref<1x125xi32, #tpu.memory_space<vmem>> -> memref<125xi32, #tpu.memory_space<vmem>>
        %dma_start3A_99 = arith.constant 0 : i32
        %dma_start3A_100 = arith.constant 0 : i32
        %dma_start3A_101 = tpu.memref_slice %arg12[%dma_start3A_99, %dma_start3A_100] : memref<10000x64xf32, #tpu.memory_space<vmem_shared>> -> memref<10000x64xf32, #tpu.memory_space<vmem_shared>>
        %dma_start3A_102 = tpu.memref_slice %arg10[%rem3A_87] : memref<2x!tpu.dma_semaphore, #tpu.memory_space<semaphore_mem>> -> memref<1x!tpu.dma_semaphore, #tpu.memory_space<semaphore_mem>>
        %dma_start3A_103 = tpu.memref_squeeze %dma_start3A_102 : memref<1x!tpu.dma_semaphore, #tpu.memory_space<semaphore_mem>> -> memref<!tpu.dma_semaphore, #tpu.memory_space<semaphore_mem>>
        tpu.enqueue_indirect_dma source(%dma_start3A_101 : memref<10000x64xf32, #tpu.memory_space<vmem_shared>>) target(%dma_start3A_95 : memref<125x64xf32, #tpu.memory_space<vmem>>) offsets(%dma_start3A_98 : memref<125xi32, #tpu.memory_space<vmem>>) semaphore(%dma_start3A_103 : memref<!tpu.dma_semaphore, #tpu.memory_space<semaphore_mem>>)
      } else {
      }
      %dma_wait3A = arith.constant 0 : i32
      %dma_wait3A_71 = arith.constant 0 : i32
      %dma_wait3A_72 = tpu.memref_slice %arg8[%rem3A_65, %dma_wait3A, %dma_wait3A_71] : memref<2x125x64xf32, #tpu.memory_space<vmem>> -> memref<1x125x64xf32, #tpu.memory_space<vmem>>
      %dma_wait3A_73 = tpu.memref_squeeze %dma_wait3A_72 : memref<1x125x64xf32, #tpu.memory_space<vmem>> -> memref<125x64xf32, #tpu.memory_space<vmem>>
      %dma_wait3A_74 = arith.constant 0 : i32
      %dma_wait3A_75 = tpu.memref_slice %arg6[%scan3A_64, %dma_wait3A_74] : memref<80x125xi32, #tpu.memory_space<vmem>> -> memref<1x125xi32, #tpu.memory_space<vmem>>
      %dma_wait3A_76 = tpu.memref_squeeze %dma_wait3A_75 : memref<1x125xi32, #tpu.memory_space<vmem>> -> memref<125xi32, #tpu.memory_space<vmem>>
      %dma_wait3A_77 = arith.constant 0 : i32
      %dma_wait3A_78 = arith.constant 0 : i32
      %dma_wait3A_79 = tpu.memref_slice %arg12[%dma_wait3A_77, %dma_wait3A_78] : memref<10000x64xf32, #tpu.memory_space<vmem_shared>> -> memref<10000x64xf32, #tpu.memory_space<vmem_shared>>
      %dma_wait3A_80 = tpu.memref_slice %arg10[%rem3A_65] : memref<2x!tpu.dma_semaphore, #tpu.memory_space<semaphore_mem>> -> memref<1x!tpu.dma_semaphore, #tpu.memory_space<semaphore_mem>>
      %dma_wait3A_81 = tpu.memref_squeeze %dma_wait3A_80 : memref<1x!tpu.dma_semaphore, #tpu.memory_space<semaphore_mem>> -> memref<!tpu.dma_semaphore, #tpu.memory_space<semaphore_mem>>
      tpu.wait_indirect_dma semaphore(%dma_wait3A_81 : memref<!tpu.dma_semaphore, #tpu.memory_space<semaphore_mem>>) src(%dma_wait3A_79 : memref<10000x64xf32, #tpu.memory_space<vmem_shared>>) dst(%dma_wait3A_73 : memref<125x64xf32, #tpu.memory_space<vmem>>)
      "tpu.region"() ({
        %run_scoped3A_82 = tpu.sem_alloc : memref<!tpu.dma_semaphore, #tpu.memory_space<semaphore_mem>>
        %dma_start3A_83 = arith.constant 0 : i32
        %dma_start3A_84 = arith.constant 0 : i32
        %dma_start3A_85 = tpu.memref_slice %arg8[%rem3A_65, %dma_start3A_83, %dma_start3A_84] : memref<2x125x64xf32, #tpu.memory_space<vmem>> -> memref<1x125x64xf32, #tpu.memory_space<vmem>>
        %dma_start3A_86 = tpu.memref_squeeze %dma_start3A_85 : memref<1x125x64xf32, #tpu.memory_space<vmem>> -> memref<125x64xf32, #tpu.memory_space<vmem>>
        %dma_start3A_87 = arith.constant 0 : i32
        %dma_start3A_88 = tpu.memref_slice %arg7[%scan3A_64, %dma_start3A_87] : memref<80x125xi32, #tpu.memory_space<vmem>> -> memref<1x125xi32, #tpu.memory_space<vmem>>
        %dma_start3A_89 = tpu.memref_squeeze %dma_start3A_88 : memref<1x125xi32, #tpu.memory_space<vmem>> -> memref<125xi32, #tpu.memory_space<vmem>>
        %dma_start3A_90 = arith.constant 0 : i32
        %dma_start3A_91 = arith.constant 0 : i32
        %dma_start3A_92 = tpu.memref_slice %arg11[%dma_start3A_90, %dma_start3A_91] : memref<10000x64xf32, #tpu.memory_space<vmem_shared>> -> memref<10000x64xf32, #tpu.memory_space<vmem_shared>>
        tpu.enqueue_indirect_dma source(%dma_start3A_86 : memref<125x64xf32, #tpu.memory_space<vmem>>) target(%dma_start3A_92 : memref<10000x64xf32, #tpu.memory_space<vmem_shared>>) offsets(%dma_start3A_89 : memref<125xi32, #tpu.memory_space<vmem>>) semaphore(%run_scoped3A_82 : memref<!tpu.dma_semaphore, #tpu.memory_space<semaphore_mem>>) {add = true}
        %dma_wait3A_93 = arith.constant 0 : i32
        %dma_wait3A_94 = arith.constant 0 : i32
        %dma_wait3A_95 = tpu.memref_slice %arg8[%rem3A_65, %dma_wait3A_93, %dma_wait3A_94] : memref<2x125x64xf32, #tpu.memory_space<vmem>> -> memref<1x125x64xf32, #tpu.memory_space<vmem>>
        %dma_wait3A_96 = tpu.memref_squeeze %dma_wait3A_95 : memref<1x125x64xf32, #tpu.memory_space<vmem>> -> memref<125x64xf32, #tpu.memory_space<vmem>>
        %dma_wait3A_97 = arith.constant 0 : i32
        %dma_wait3A_98 = tpu.memref_slice %arg7[%scan3A_64, %dma_wait3A_97] : memref<80x125xi32, #tpu.memory_space<vmem>> -> memref<1x125xi32, #tpu.memory_space<vmem>>
        %dma_wait3A_99 = tpu.memref_squeeze %dma_wait3A_98 : memref<1x125xi32, #tpu.memory_space<vmem>> -> memref<125xi32, #tpu.memory_space<vmem>>
        %dma_wait3A_100 = arith.constant 0 : i32
        %dma_wait3A_101 = arith.constant 0 : i32
        %dma_wait3A_102 = tpu.memref_slice %arg11[%dma_wait3A_100, %dma_wait3A_101] : memref<10000x64xf32, #tpu.memory_space<vmem_shared>> -> memref<10000x64xf32, #tpu.memory_space<vmem_shared>>
        tpu.wait_indirect_dma semaphore(%run_scoped3A_82 : memref<!tpu.dma_semaphore, #tpu.memory_space<semaphore_mem>>) src(%dma_wait3A_96 : memref<125x64xf32, #tpu.memory_space<vmem>>) dst(%dma_wait3A_102 : memref<10000x64xf32, #tpu.memory_space<vmem_shared>>)
        tpu.yield
      }) : () -> ()
    }
    %scan3A_42 = arith.constant 80 : i32
    %barrier3A_43 = arith.constant 0 : index
    tpu.barrier barrier_id(%barrier3A_43)
    %mul3A_44 = arith.constant 625 : i32
    %mul3A_45 = arith.muli %arg1, %mul3A_44 : i32
    %add3A_46 = arith.constant 0 : i32
    %add3A_47 = arith.addi %mul3A_45, %add3A_46 : i32
    "tpu.region"() ({
      %run_scoped3A_64 = tpu.sem_alloc : memref<!tpu.dma_semaphore, #tpu.memory_space<semaphore_mem>>
      %dma_start3A_65 = arith.constant 0 : i32
      %dma_start3A_66 = tpu.memref_slice %arg11[%add3A_47, %dma_start3A_65] : memref<10000x64xf32, #tpu.memory_space<vmem_shared>> -> memref<125x64xf32, #tpu.memory_space<vmem_shared>>
      %dma_start3A_67 = arith.constant 0 : i32
      %dma_start3A_68 = tpu.memref_slice %arg11[%add3A_47, %dma_start3A_67] : memref<10000x64xf32, #tpu.memory_space<vmem_shared>> -> memref<125x64xf32, #tpu.memory_space<vmem_shared>>
      tpu.enqueue_dma source(%dma_start3A_68 : memref<125x64xf32, #tpu.memory_space<vmem_shared>>) target(%arg9 : memref<125x64xf32, #tpu.memory_space<vmem>>) target_semaphore(%run_scoped3A_64 : memref<!tpu.dma_semaphore, #tpu.memory_space<semaphore_mem>>)
      %dma_wait3A = arith.constant 0 : i32
      %dma_wait3A_69 = tpu.memref_slice %arg11[%add3A_47, %dma_wait3A] : memref<10000x64xf32, #tpu.memory_space<vmem_shared>> -> memref<125x64xf32, #tpu.memory_space<vmem_shared>>
      %dma_wait3A_70 = arith.constant 0 : i32
      %dma_wait3A_71 = tpu.memref_slice %arg11[%add3A_47, %dma_wait3A_70] : memref<10000x64xf32, #tpu.memory_space<vmem_shared>> -> memref<125x64xf32, #tpu.memory_space<vmem_shared>>
      tpu.wait_dma2 semaphore(%run_scoped3A_64 : memref<!tpu.dma_semaphore, #tpu.memory_space<semaphore_mem>>) src(%dma_wait3A_71 : memref<125x64xf32, #tpu.memory_space<vmem_shared>>) dst(%arg9 : memref<125x64xf32, #tpu.memory_space<vmem>>)
      tpu.yield
    }) : () -> ()
    "tpu.region"() ({
      %run_scoped3A_64 = tpu.sem_alloc : memref<!tpu.dma_semaphore, #tpu.memory_space<semaphore_mem>>
      %dma_start3A_65 = arith.constant 0 : i32
      %dma_start3A_66 = tpu.memref_slice %arg5[%arg0, %add3A_47, %dma_start3A_65] : memref<2x10000x64xf32, #tpu.memory_space<hbm>> -> memref<1x125x64xf32, #tpu.memory_space<hbm>>
      %dma_start3A_67 = tpu.memref_squeeze %dma_start3A_66 : memref<1x125x64xf32, #tpu.memory_space<hbm>> -> memref<125x64xf32, #tpu.memory_space<hbm>>
      %dma_start3A_68 = arith.constant 0 : i32
      %dma_start3A_69 = tpu.memref_slice %arg5[%arg0, %add3A_47, %dma_start3A_68] : memref<2x10000x64xf32, #tpu.memory_space<hbm>> -> memref<1x125x64xf32, #tpu.memory_space<hbm>>
      %dma_start3A_70 = tpu.memref_squeeze %dma_start3A_69 : memref<1x125x64xf32, #tpu.memory_space<hbm>> -> memref<125x64xf32, #tpu.memory_space<hbm>>
      tpu.enqueue_dma source(%arg9 : memref<125x64xf32, #tpu.memory_space<vmem>>) target(%dma_start3A_70 : memref<125x64xf32, #tpu.memory_space<hbm>>) target_semaphore(%run_scoped3A_64 : memref<!tpu.dma_semaphore, #tpu.memory_space<semaphore_mem>>)
      %dma_wait3A = arith.constant 0 : i32
      %dma_wait3A_71 = tpu.memref_slice %arg5[%arg0, %add3A_47, %dma_wait3A] : memref<2x10000x64xf32, #tpu.memory_space<hbm>> -> memref<1x125x64xf32, #tpu.memory_space<hbm>>
      %dma_wait3A_72 = tpu.memref_squeeze %dma_wait3A_71 : memref<1x125x64xf32, #tpu.memory_space<hbm>> -> memref<125x64xf32, #tpu.memory_space<hbm>>
      %dma_wait3A_73 = arith.constant 0 : i32
      %dma_wait3A_74 = tpu.memref_slice %arg5[%arg0, %add3A_47, %dma_wait3A_73] : memref<2x10000x64xf32, #tpu.memory_space<hbm>> -> memref<1x125x64xf32, #tpu.memory_space<hbm>>
      %dma_wait3A_75 = tpu.memref_squeeze %dma_wait3A_74 : memref<1x125x64xf32, #tpu.memory_space<hbm>> -> memref<125x64xf32, #tpu.memory_space<hbm>>
      tpu.wait_dma2 semaphore(%run_scoped3A_64 : memref<!tpu.dma_semaphore, #tpu.memory_space<semaphore_mem>>) src(%arg9 : memref<125x64xf32, #tpu.memory_space<vmem>>) dst(%dma_wait3A_75 : memref<125x64xf32, #tpu.memory_space<hbm>>)
      tpu.yield
    }) : () -> ()
    %mul3A_48 = arith.constant 625 : i32
    %mul3A_49 = arith.muli %arg1, %mul3A_48 : i32
    %add3A_50 = arith.constant 125 : i32
    %add3A_51 = arith.addi %mul3A_49, %add3A_50 : i32
    "tpu.region"() ({
      %run_scoped3A_64 = tpu.sem_alloc : memref<!tpu.dma_semaphore, #tpu.memory_space<semaphore_mem>>
      %dma_start3A_65 = arith.constant 0 : i32
      %dma_start3A_66 = tpu.memref_slice %arg11[%add3A_51, %dma_start3A_65] : memref<10000x64xf32, #tpu.memory_space<vmem_shared>> -> memref<125x64xf32, #tpu.memory_space<vmem_shared>>
      %dma_start3A_67 = arith.constant 0 : i32
      %dma_start3A_68 = tpu.memref_slice %arg11[%add3A_51, %dma_start3A_67] : memref<10000x64xf32, #tpu.memory_space<vmem_shared>> -> memref<125x64xf32, #tpu.memory_space<vmem_shared>>
      tpu.enqueue_dma source(%dma_start3A_68 : memref<125x64xf32, #tpu.memory_space<vmem_shared>>) target(%arg9 : memref<125x64xf32, #tpu.memory_space<vmem>>) target_semaphore(%run_scoped3A_64 : memref<!tpu.dma_semaphore, #tpu.memory_space<semaphore_mem>>)
      %dma_wait3A = arith.constant 0 : i32
      %dma_wait3A_69 = tpu.memref_slice %arg11[%add3A_51, %dma_wait3A] : memref<10000x64xf32, #tpu.memory_space<vmem_shared>> -> memref<125x64xf32, #tpu.memory_space<vmem_shared>>
      %dma_wait3A_70 = arith.constant 0 : i32
      %dma_wait3A_71 = tpu.memref_slice %arg11[%add3A_51, %dma_wait3A_70] : memref<10000x64xf32, #tpu.memory_space<vmem_shared>> -> memref<125x64xf32, #tpu.memory_space<vmem_shared>>
      tpu.wait_dma2 semaphore(%run_scoped3A_64 : memref<!tpu.dma_semaphore, #tpu.memory_space<semaphore_mem>>) src(%dma_wait3A_71 : memref<125x64xf32, #tpu.memory_space<vmem_shared>>) dst(%arg9 : memref<125x64xf32, #tpu.memory_space<vmem>>)
      tpu.yield
    }) : () -> ()
    "tpu.region"() ({
      %run_scoped3A_64 = tpu.sem_alloc : memref<!tpu.dma_semaphore, #tpu.memory_space<semaphore_mem>>
      %dma_start3A_65 = arith.constant 0 : i32
      %dma_start3A_66 = tpu.memref_slice %arg5[%arg0, %add3A_51, %dma_start3A_65] : memref<2x10000x64xf32, #tpu.memory_space<hbm>> -> memref<1x125x64xf32, #tpu.memory_space<hbm>>
      %dma_start3A_67 = tpu.memref_squeeze %dma_start3A_66 : memref<1x125x64xf32, #tpu.memory_space<hbm>> -> memref<125x64xf32, #tpu.memory_space<hbm>>
      %dma_start3A_68 = arith.constant 0 : i32
      %dma_start3A_69 = tpu.memref_slice %arg5[%arg0, %add3A_51, %dma_start3A_68] : memref<2x10000x64xf32, #tpu.memory_space<hbm>> -> memref<1x125x64xf32, #tpu.memory_space<hbm>>
      %dma_start3A_70 = tpu.memref_squeeze %dma_start3A_69 : memref<1x125x64xf32, #tpu.memory_space<hbm>> -> memref<125x64xf32, #tpu.memory_space<hbm>>
      tpu.enqueue_dma source(%arg9 : memref<125x64xf32, #tpu.memory_space<vmem>>) target(%dma_start3A_70 : memref<125x64xf32, #tpu.memory_space<hbm>>) target_semaphore(%run_scoped3A_64 : memref<!tpu.dma_semaphore, #tpu.memory_space<semaphore_mem>>)
      %dma_wait3A = arith.constant 0 : i32
      %dma_wait3A_71 = tpu.memref_slice %arg5[%arg0, %add3A_51, %dma_wait3A] : memref<2x10000x64xf32, #tpu.memory_space<hbm>> -> memref<1x125x64xf32, #tpu.memory_space<hbm>>
      %dma_wait3A_72 = tpu.memref_squeeze %dma_wait3A_71 : memref<1x125x64xf32, #tpu.memory_space<hbm>> -> memref<125x64xf32, #tpu.memory_space<hbm>>
      %dma_wait3A_73 = arith.constant 0 : i32
      %dma_wait3A_74 = tpu.memref_slice %arg5[%arg0, %add3A_51, %dma_wait3A_73] : memref<2x10000x64xf32, #tpu.memory_space<hbm>> -> memref<1x125x64xf32, #tpu.memory_space<hbm>>
      %dma_wait3A_75 = tpu.memref_squeeze %dma_wait3A_74 : memref<1x125x64xf32, #tpu.memory_space<hbm>> -> memref<125x64xf32, #tpu.memory_space<hbm>>
      tpu.wait_dma2 semaphore(%run_scoped3A_64 : memref<!tpu.dma_semaphore, #tpu.memory_space<semaphore_mem>>) src(%arg9 : memref<125x64xf32, #tpu.memory_space<vmem>>) dst(%dma_wait3A_75 : memref<125x64xf32, #tpu.memory_space<hbm>>)
      tpu.yield
    }) : () -> ()
    %mul3A_52 = arith.constant 625 : i32
    %mul3A_53 = arith.muli %arg1, %mul3A_52 : i32
    %add3A_54 = arith.constant 250 : i32
    %add3A_55 = arith.addi %mul3A_53, %add3A_54 : i32
    "tpu.region"() ({
      %run_scoped3A_64 = tpu.sem_alloc : memref<!tpu.dma_semaphore, #tpu.memory_space<semaphore_mem>>
      %dma_start3A_65 = arith.constant 0 : i32
      %dma_start3A_66 = tpu.memref_slice %arg11[%add3A_55, %dma_start3A_65] : memref<10000x64xf32, #tpu.memory_space<vmem_shared>> -> memref<125x64xf32, #tpu.memory_space<vmem_shared>>
      %dma_start3A_67 = arith.constant 0 : i32
      %dma_start3A_68 = tpu.memref_slice %arg11[%add3A_55, %dma_start3A_67] : memref<10000x64xf32, #tpu.memory_space<vmem_shared>> -> memref<125x64xf32, #tpu.memory_space<vmem_shared>>
      tpu.enqueue_dma source(%dma_start3A_68 : memref<125x64xf32, #tpu.memory_space<vmem_shared>>) target(%arg9 : memref<125x64xf32, #tpu.memory_space<vmem>>) target_semaphore(%run_scoped3A_64 : memref<!tpu.dma_semaphore, #tpu.memory_space<semaphore_mem>>)
      %dma_wait3A = arith.constant 0 : i32
      %dma_wait3A_69 = tpu.memref_slice %arg11[%add3A_55, %dma_wait3A] : memref<10000x64xf32, #tpu.memory_space<vmem_shared>> -> memref<125x64xf32, #tpu.memory_space<vmem_shared>>
      %dma_wait3A_70 = arith.constant 0 : i32
      %dma_wait3A_71 = tpu.memref_slice %arg11[%add3A_55, %dma_wait3A_70] : memref<10000x64xf32, #tpu.memory_space<vmem_shared>> -> memref<125x64xf32, #tpu.memory_space<vmem_shared>>
      tpu.wait_dma2 semaphore(%run_scoped3A_64 : memref<!tpu.dma_semaphore, #tpu.memory_space<semaphore_mem>>) src(%dma_wait3A_71 : memref<125x64xf32, #tpu.memory_space<vmem_shared>>) dst(%arg9 : memref<125x64xf32, #tpu.memory_space<vmem>>)
      tpu.yield
    }) : () -> ()
    "tpu.region"() ({
      %run_scoped3A_64 = tpu.sem_alloc : memref<!tpu.dma_semaphore, #tpu.memory_space<semaphore_mem>>
      %dma_start3A_65 = arith.constant 0 : i32
      %dma_start3A_66 = tpu.memref_slice %arg5[%arg0, %add3A_55, %dma_start3A_65] : memref<2x10000x64xf32, #tpu.memory_space<hbm>> -> memref<1x125x64xf32, #tpu.memory_space<hbm>>
      %dma_start3A_67 = tpu.memref_squeeze %dma_start3A_66 : memref<1x125x64xf32, #tpu.memory_space<hbm>> -> memref<125x64xf32, #tpu.memory_space<hbm>>
      %dma_start3A_68 = arith.constant 0 : i32
      %dma_start3A_69 = tpu.memref_slice %arg5[%arg0, %add3A_55, %dma_start3A_68] : memref<2x10000x64xf32, #tpu.memory_space<hbm>> -> memref<1x125x64xf32, #tpu.memory_space<hbm>>
      %dma_start3A_70 = tpu.memref_squeeze %dma_start3A_69 : memref<1x125x64xf32, #tpu.memory_space<hbm>> -> memref<125x64xf32, #tpu.memory_space<hbm>>
      tpu.enqueue_dma source(%arg9 : memref<125x64xf32, #tpu.memory_space<vmem>>) target(%dma_start3A_70 : memref<125x64xf32, #tpu.memory_space<hbm>>) target_semaphore(%run_scoped3A_64 : memref<!tpu.dma_semaphore, #tpu.memory_space<semaphore_mem>>)
      %dma_wait3A = arith.constant 0 : i32
      %dma_wait3A_71 = tpu.memref_slice %arg5[%arg0, %add3A_55, %dma_wait3A] : memref<2x10000x64xf32, #tpu.memory_space<hbm>> -> memref<1x125x64xf32, #tpu.memory_space<hbm>>
      %dma_wait3A_72 = tpu.memref_squeeze %dma_wait3A_71 : memref<1x125x64xf32, #tpu.memory_space<hbm>> -> memref<125x64xf32, #tpu.memory_space<hbm>>
      %dma_wait3A_73 = arith.constant 0 : i32
      %dma_wait3A_74 = tpu.memref_slice %arg5[%arg0, %add3A_55, %dma_wait3A_73] : memref<2x10000x64xf32, #tpu.memory_space<hbm>> -> memref<1x125x64xf32, #tpu.memory_space<hbm>>
      %dma_wait3A_75 = tpu.memref_squeeze %dma_wait3A_74 : memref<1x125x64xf32, #tpu.memory_space<hbm>> -> memref<125x64xf32, #tpu.memory_space<hbm>>
      tpu.wait_dma2 semaphore(%run_scoped3A_64 : memref<!tpu.dma_semaphore, #tpu.memory_space<semaphore_mem>>) src(%arg9 : memref<125x64xf32, #tpu.memory_space<vmem>>) dst(%dma_wait3A_75 : memref<125x64xf32, #tpu.memory_space<hbm>>)
      tpu.yield
    }) : () -> ()
    %mul3A_56 = arith.constant 625 : i32
    %mul3A_57 = arith.muli %arg1, %mul3A_56 : i32
    %add3A_58 = arith.constant 375 : i32
    %add3A_59 = arith.addi %mul3A_57, %add3A_58 : i32
    "tpu.region"() ({
      %run_scoped3A_64 = tpu.sem_alloc : memref<!tpu.dma_semaphore, #tpu.memory_space<semaphore_mem>>
      %dma_start3A_65 = arith.constant 0 : i32
      %dma_start3A_66 = tpu.memref_slice %arg11[%add3A_59, %dma_start3A_65] : memref<10000x64xf32, #tpu.memory_space<vmem_shared>> -> memref<125x64xf32, #tpu.memory_space<vmem_shared>>
      %dma_start3A_67 = arith.constant 0 : i32
      %dma_start3A_68 = tpu.memref_slice %arg11[%add3A_59, %dma_start3A_67] : memref<10000x64xf32, #tpu.memory_space<vmem_shared>> -> memref<125x64xf32, #tpu.memory_space<vmem_shared>>
      tpu.enqueue_dma source(%dma_start3A_68 : memref<125x64xf32, #tpu.memory_space<vmem_shared>>) target(%arg9 : memref<125x64xf32, #tpu.memory_space<vmem>>) target_semaphore(%run_scoped3A_64 : memref<!tpu.dma_semaphore, #tpu.memory_space<semaphore_mem>>)
      %dma_wait3A = arith.constant 0 : i32
      %dma_wait3A_69 = tpu.memref_slice %arg11[%add3A_59, %dma_wait3A] : memref<10000x64xf32, #tpu.memory_space<vmem_shared>> -> memref<125x64xf32, #tpu.memory_space<vmem_shared>>
      %dma_wait3A_70 = arith.constant 0 : i32
      %dma_wait3A_71 = tpu.memref_slice %arg11[%add3A_59, %dma_wait3A_70] : memref<10000x64xf32, #tpu.memory_space<vmem_shared>> -> memref<125x64xf32, #tpu.memory_space<vmem_shared>>
      tpu.wait_dma2 semaphore(%run_scoped3A_64 : memref<!tpu.dma_semaphore, #tpu.memory_space<semaphore_mem>>) src(%dma_wait3A_71 : memref<125x64xf32, #tpu.memory_space<vmem_shared>>) dst(%arg9 : memref<125x64xf32, #tpu.memory_space<vmem>>)
      tpu.yield
    }) : () -> ()
    "tpu.region"() ({
      %run_scoped3A_64 = tpu.sem_alloc : memref<!tpu.dma_semaphore, #tpu.memory_space<semaphore_mem>>
      %dma_start3A_65 = arith.constant 0 : i32
      %dma_start3A_66 = tpu.memref_slice %arg5[%arg0, %add3A_59, %dma_start3A_65] : memref<2x10000x64xf32, #tpu.memory_space<hbm>> -> memref<1x125x64xf32, #tpu.memory_space<hbm>>
      %dma_start3A_67 = tpu.memref_squeeze %dma_start3A_66 : memref<1x125x64xf32, #tpu.memory_space<hbm>> -> memref<125x64xf32, #tpu.memory_space<hbm>>
      %dma_start3A_68 = arith.constant 0 : i32
      %dma_start3A_69 = tpu.memref_slice %arg5[%arg0, %add3A_59, %dma_start3A_68] : memref<2x10000x64xf32, #tpu.memory_space<hbm>> -> memref<1x125x64xf32, #tpu.memory_space<hbm>>
      %dma_start3A_70 = tpu.memref_squeeze %dma_start3A_69 : memref<1x125x64xf32, #tpu.memory_space<hbm>> -> memref<125x64xf32, #tpu.memory_space<hbm>>
      tpu.enqueue_dma source(%arg9 : memref<125x64xf32, #tpu.memory_space<vmem>>) target(%dma_start3A_70 : memref<125x64xf32, #tpu.memory_space<hbm>>) target_semaphore(%run_scoped3A_64 : memref<!tpu.dma_semaphore, #tpu.memory_space<semaphore_mem>>)
      %dma_wait3A = arith.constant 0 : i32
      %dma_wait3A_71 = tpu.memref_slice %arg5[%arg0, %add3A_59, %dma_wait3A] : memref<2x10000x64xf32, #tpu.memory_space<hbm>> -> memref<1x125x64xf32, #tpu.memory_space<hbm>>
      %dma_wait3A_72 = tpu.memref_squeeze %dma_wait3A_71 : memref<1x125x64xf32, #tpu.memory_space<hbm>> -> memref<125x64xf32, #tpu.memory_space<hbm>>
      %dma_wait3A_73 = arith.constant 0 : i32
      %dma_wait3A_74 = tpu.memref_slice %arg5[%arg0, %add3A_59, %dma_wait3A_73] : memref<2x10000x64xf32, #tpu.memory_space<hbm>> -> memref<1x125x64xf32, #tpu.memory_space<hbm>>
      %dma_wait3A_75 = tpu.memref_squeeze %dma_wait3A_74 : memref<1x125x64xf32, #tpu.memory_space<hbm>> -> memref<125x64xf32, #tpu.memory_space<hbm>>
      tpu.wait_dma2 semaphore(%run_scoped3A_64 : memref<!tpu.dma_semaphore, #tpu.memory_space<semaphore_mem>>) src(%arg9 : memref<125x64xf32, #tpu.memory_space<vmem>>) dst(%dma_wait3A_75 : memref<125x64xf32, #tpu.memory_space<hbm>>)
      tpu.yield
    }) : () -> ()
    %mul3A_60 = arith.constant 625 : i32
    %mul3A_61 = arith.muli %arg1, %mul3A_60 : i32
    %add3A_62 = arith.constant 500 : i32
    %add3A_63 = arith.addi %mul3A_61, %add3A_62 : i32
    "tpu.region"() ({
      %run_scoped3A_64 = tpu.sem_alloc : memref<!tpu.dma_semaphore, #tpu.memory_space<semaphore_mem>>
      %dma_start3A_65 = arith.constant 0 : i32
      %dma_start3A_66 = tpu.memref_slice %arg11[%add3A_63, %dma_start3A_65] : memref<10000x64xf32, #tpu.memory_space<vmem_shared>> -> memref<125x64xf32, #tpu.memory_space<vmem_shared>>
      %dma_start3A_67 = arith.constant 0 : i32
      %dma_start3A_68 = tpu.memref_slice %arg11[%add3A_63, %dma_start3A_67] : memref<10000x64xf32, #tpu.memory_space<vmem_shared>> -> memref<125x64xf32, #tpu.memory_space<vmem_shared>>
      tpu.enqueue_dma source(%dma_start3A_68 : memref<125x64xf32, #tpu.memory_space<vmem_shared>>) target(%arg9 : memref<125x64xf32, #tpu.memory_space<vmem>>) target_semaphore(%run_scoped3A_64 : memref<!tpu.dma_semaphore, #tpu.memory_space<semaphore_mem>>)
      %dma_wait3A = arith.constant 0 : i32
      %dma_wait3A_69 = tpu.memref_slice %arg11[%add3A_63, %dma_wait3A] : memref<10000x64xf32, #tpu.memory_space<vmem_shared>> -> memref<125x64xf32, #tpu.memory_space<vmem_shared>>
      %dma_wait3A_70 = arith.constant 0 : i32
      %dma_wait3A_71 = tpu.memref_slice %arg11[%add3A_63, %dma_wait3A_70] : memref<10000x64xf32, #tpu.memory_space<vmem_shared>> -> memref<125x64xf32, #tpu.memory_space<vmem_shared>>
      tpu.wait_dma2 semaphore(%run_scoped3A_64 : memref<!tpu.dma_semaphore, #tpu.memory_space<semaphore_mem>>) src(%dma_wait3A_71 : memref<125x64xf32, #tpu.memory_space<vmem_shared>>) dst(%arg9 : memref<125x64xf32, #tpu.memory_space<vmem>>)
      tpu.yield
    }) : () -> ()
    "tpu.region"() ({
      %run_scoped3A_64 = tpu.sem_alloc : memref<!tpu.dma_semaphore, #tpu.memory_space<semaphore_mem>>
      %dma_start3A_65 = arith.constant 0 : i32
      %dma_start3A_66 = tpu.memref_slice %arg5[%arg0, %add3A_63, %dma_start3A_65] : memref<2x10000x64xf32, #tpu.memory_space<hbm>> -> memref<1x125x64xf32, #tpu.memory_space<hbm>>
      %dma_start3A_67 = tpu.memref_squeeze %dma_start3A_66 : memref<1x125x64xf32, #tpu.memory_space<hbm>> -> memref<125x64xf32, #tpu.memory_space<hbm>>
      %dma_start3A_68 = arith.constant 0 : i32
      %dma_start3A_69 = tpu.memref_slice %arg5[%arg0, %add3A_63, %dma_start3A_68] : memref<2x10000x64xf32, #tpu.memory_space<hbm>> -> memref<1x125x64xf32, #tpu.memory_space<hbm>>
      %dma_start3A_70 = tpu.memref_squeeze %dma_start3A_69 : memref<1x125x64xf32, #tpu.memory_space<hbm>> -> memref<125x64xf32, #tpu.memory_space<hbm>>
      tpu.enqueue_dma source(%arg9 : memref<125x64xf32, #tpu.memory_space<vmem>>) target(%dma_start3A_70 : memref<125x64xf32, #tpu.memory_space<hbm>>) target_semaphore(%run_scoped3A_64 : memref<!tpu.dma_semaphore, #tpu.memory_space<semaphore_mem>>)
      %dma_wait3A = arith.constant 0 : i32
      %dma_wait3A_71 = tpu.memref_slice %arg5[%arg0, %add3A_63, %dma_wait3A] : memref<2x10000x64xf32, #tpu.memory_space<hbm>> -> memref<1x125x64xf32, #tpu.memory_space<hbm>>
      %dma_wait3A_72 = tpu.memref_squeeze %dma_wait3A_71 : memref<1x125x64xf32, #tpu.memory_space<hbm>> -> memref<125x64xf32, #tpu.memory_space<hbm>>
      %dma_wait3A_73 = arith.constant 0 : i32
      %dma_wait3A_74 = tpu.memref_slice %arg5[%arg0, %add3A_63, %dma_wait3A_73] : memref<2x10000x64xf32, #tpu.memory_space<hbm>> -> memref<1x125x64xf32, #tpu.memory_space<hbm>>
      %dma_wait3A_75 = tpu.memref_squeeze %dma_wait3A_74 : memref<1x125x64xf32, #tpu.memory_space<hbm>> -> memref<125x64xf32, #tpu.memory_space<hbm>>
      tpu.wait_dma2 semaphore(%run_scoped3A_64 : memref<!tpu.dma_semaphore, #tpu.memory_space<semaphore_mem>>) src(%arg9 : memref<125x64xf32, #tpu.memory_space<vmem>>) dst(%dma_wait3A_75 : memref<125x64xf32, #tpu.memory_space<hbm>>)
      tpu.yield
    }) : () -> ()
    return
  }
}

#map = affine_map<(d0, d1) -> (0, 0)>
#map1 = affine_map<(d0, d1) -> (0, 0, 0, 0)>
#map2 = affine_map<(d0, d1) -> (0, 0, 0)>
module attributes {stable_mosaic.version = 14 : i64} {
  func.func @_agg_body(%arg0: i32, %arg1: i32, %arg2: memref<10000x64xf32, #tpu.memory_space<hbm>>, %arg3: memref<2x32x80x125xi32, #tpu.memory_space<hbm>>, %arg4: memref<125x64xf32, #tpu.memory_space<hbm>>, %arg5: memref<2x10000x64xf32, #tpu.memory_space<hbm>>, %arg6: memref<80x125xi32, #tpu.memory_space<vmem>>, %arg7: memref<80x125xi32, #tpu.memory_space<vmem>>, %arg8: memref<2x125x64xf32, #tpu.memory_space<vmem>>, %arg9: memref<125x64xf32, #tpu.memory_space<vmem>>, %arg10: memref<2x!tpu.dma_semaphore, #tpu.memory_space<semaphore_mem>>, %arg11: memref<10000x64xf32, #tpu.memory_space<vmem_shared>>, %arg12: memref<10000x64xf32, #tpu.memory_space<vmem_shared>>) attributes {dimension_semantics = [#tpu.dimension_semantics<core_parallel>, #tpu.dimension_semantics<subcore_parallel>], iteration_bounds = array<i64: 2, 16>, scalar_prefetch = 0 : i64, scratch_operands = 7 : i64, tpu.core_type = #tpu.core_type<sc_vector_subcore>, window_params = [{transform_indices = #map}, {transform_indices = #map1}, {transform_indices = #map}, {transform_indices = #map2}]} {
    %mul3A = arith.constant 2 : i32
    %mul3A_0 = arith.muli %arg1, %mul3A : i32
    %add3A = arith.addi %mul3A_0, %arg0 : i32
    %mul3A_1 = arith.constant 625 : i32
    %mul3A_2 = arith.muli %arg1, %mul3A_1 : i32
    "tpu.region"() ({
      %run_scoped3A_64 = tpu.sem_alloc : memref<!tpu.dma_semaphore, #tpu.memory_space<semaphore_mem>>
      %dma_start3A_65 = arith.constant 0 : i32
      %dma_start3A_66 = tpu.memref_slice %arg12[%mul3A_2, %dma_start3A_65] : memref<10000x64xf32, #tpu.memory_space<vmem_shared>> -> memref<625x64xf32, #tpu.memory_space<vmem_shared>>
      %dma_start3A_67 = arith.constant 0 : i32
      %dma_start3A_68 = tpu.memref_slice %arg2[%mul3A_2, %dma_start3A_67] : memref<10000x64xf32, #tpu.memory_space<hbm>> -> memref<625x64xf32, #tpu.memory_space<hbm>>
      tpu.enqueue_dma source(%dma_start3A_68 : memref<625x64xf32, #tpu.memory_space<hbm>>) target(%dma_start3A_66 : memref<625x64xf32, #tpu.memory_space<vmem_shared>>) target_semaphore(%run_scoped3A_64 : memref<!tpu.dma_semaphore, #tpu.memory_space<semaphore_mem>>)
      %dma_wait3A = arith.constant 0 : i32
      %dma_wait3A_69 = tpu.memref_slice %arg12[%mul3A_2, %dma_wait3A] : memref<10000x64xf32, #tpu.memory_space<vmem_shared>> -> memref<625x64xf32, #tpu.memory_space<vmem_shared>>
      %dma_wait3A_70 = arith.constant 0 : i32
      %dma_wait3A_71 = tpu.memref_slice %arg2[%mul3A_2, %dma_wait3A_70] : memref<10000x64xf32, #tpu.memory_space<hbm>> -> memref<625x64xf32, #tpu.memory_space<hbm>>
      tpu.wait_dma2 semaphore(%run_scoped3A_64 : memref<!tpu.dma_semaphore, #tpu.memory_space<semaphore_mem>>) src(%dma_wait3A_71 : memref<625x64xf32, #tpu.memory_space<hbm>>) dst(%dma_wait3A_69 : memref<625x64xf32, #tpu.memory_space<vmem_shared>>)
      tpu.yield
    }) : () -> ()
    "tpu.region"() ({
      %run_scoped3A_64 = tpu.sem_alloc : memref<!tpu.dma_semaphore, #tpu.memory_space<semaphore_mem>>
      tpu.enqueue_dma source(%arg4 : memref<125x64xf32, #tpu.memory_space<hbm>>) target(%arg9 : memref<125x64xf32, #tpu.memory_space<vmem>>) target_semaphore(%run_scoped3A_64 : memref<!tpu.dma_semaphore, #tpu.memory_space<semaphore_mem>>)
      tpu.wait_dma2 semaphore(%run_scoped3A_64 : memref<!tpu.dma_semaphore, #tpu.memory_space<semaphore_mem>>) src(%arg4 : memref<125x64xf32, #tpu.memory_space<hbm>>) dst(%arg9 : memref<125x64xf32, #tpu.memory_space<vmem>>)
      tpu.yield
    }) : () -> ()
    %mul3A_3 = arith.constant 625 : i32
    %mul3A_4 = arith.muli %arg1, %mul3A_3 : i32
    %add3A_5 = arith.constant 0 : i32
    %add3A_6 = arith.addi %mul3A_4, %add3A_5 : i32
    "tpu.region"() ({
      %run_scoped3A_64 = tpu.sem_alloc : memref<!tpu.dma_semaphore, #tpu.memory_space<semaphore_mem>>
      %dma_start3A_65 = arith.constant 0 : i32
      %dma_start3A_66 = tpu.memref_slice %arg11[%add3A_6, %dma_start3A_65] : memref<10000x64xf32, #tpu.memory_space<vmem_shared>> -> memref<125x64xf32, #tpu.memory_space<vmem_shared>>
      %dma_start3A_67 = arith.constant 0 : i32
      %dma_start3A_68 = tpu.memref_slice %arg11[%add3A_6, %dma_start3A_67] : memref<10000x64xf32, #tpu.memory_space<vmem_shared>> -> memref<125x64xf32, #tpu.memory_space<vmem_shared>>
      tpu.enqueue_dma source(%arg9 : memref<125x64xf32, #tpu.memory_space<vmem>>) target(%dma_start3A_68 : memref<125x64xf32, #tpu.memory_space<vmem_shared>>) target_semaphore(%run_scoped3A_64 : memref<!tpu.dma_semaphore, #tpu.memory_space<semaphore_mem>>)
      %dma_wait3A = arith.constant 0 : i32
      %dma_wait3A_69 = tpu.memref_slice %arg11[%add3A_6, %dma_wait3A] : memref<10000x64xf32, #tpu.memory_space<vmem_shared>> -> memref<125x64xf32, #tpu.memory_space<vmem_shared>>
      %dma_wait3A_70 = arith.constant 0 : i32
      %dma_wait3A_71 = tpu.memref_slice %arg11[%add3A_6, %dma_wait3A_70] : memref<10000x64xf32, #tpu.memory_space<vmem_shared>> -> memref<125x64xf32, #tpu.memory_space<vmem_shared>>
      tpu.wait_dma2 semaphore(%run_scoped3A_64 : memref<!tpu.dma_semaphore, #tpu.memory_space<semaphore_mem>>) src(%arg9 : memref<125x64xf32, #tpu.memory_space<vmem>>) dst(%dma_wait3A_71 : memref<125x64xf32, #tpu.memory_space<vmem_shared>>)
      tpu.yield
    }) : () -> ()
    %mul3A_7 = arith.constant 625 : i32
    %mul3A_8 = arith.muli %arg1, %mul3A_7 : i32
    %add3A_9 = arith.constant 125 : i32
    %add3A_10 = arith.addi %mul3A_8, %add3A_9 : i32
    "tpu.region"() ({
      %run_scoped3A_64 = tpu.sem_alloc : memref<!tpu.dma_semaphore, #tpu.memory_space<semaphore_mem>>
      %dma_start3A_65 = arith.constant 0 : i32
      %dma_start3A_66 = tpu.memref_slice %arg11[%add3A_10, %dma_start3A_65] : memref<10000x64xf32, #tpu.memory_space<vmem_shared>> -> memref<125x64xf32, #tpu.memory_space<vmem_shared>>
      %dma_start3A_67 = arith.constant 0 : i32
      %dma_start3A_68 = tpu.memref_slice %arg11[%add3A_10, %dma_start3A_67] : memref<10000x64xf32, #tpu.memory_space<vmem_shared>> -> memref<125x64xf32, #tpu.memory_space<vmem_shared>>
      tpu.enqueue_dma source(%arg9 : memref<125x64xf32, #tpu.memory_space<vmem>>) target(%dma_start3A_68 : memref<125x64xf32, #tpu.memory_space<vmem_shared>>) target_semaphore(%run_scoped3A_64 : memref<!tpu.dma_semaphore, #tpu.memory_space<semaphore_mem>>)
      %dma_wait3A = arith.constant 0 : i32
      %dma_wait3A_69 = tpu.memref_slice %arg11[%add3A_10, %dma_wait3A] : memref<10000x64xf32, #tpu.memory_space<vmem_shared>> -> memref<125x64xf32, #tpu.memory_space<vmem_shared>>
      %dma_wait3A_70 = arith.constant 0 : i32
      %dma_wait3A_71 = tpu.memref_slice %arg11[%add3A_10, %dma_wait3A_70] : memref<10000x64xf32, #tpu.memory_space<vmem_shared>> -> memref<125x64xf32, #tpu.memory_space<vmem_shared>>
      tpu.wait_dma2 semaphore(%run_scoped3A_64 : memref<!tpu.dma_semaphore, #tpu.memory_space<semaphore_mem>>) src(%arg9 : memref<125x64xf32, #tpu.memory_space<vmem>>) dst(%dma_wait3A_71 : memref<125x64xf32, #tpu.memory_space<vmem_shared>>)
      tpu.yield
    }) : () -> ()
    %mul3A_11 = arith.constant 625 : i32
    %mul3A_12 = arith.muli %arg1, %mul3A_11 : i32
    %add3A_13 = arith.constant 250 : i32
    %add3A_14 = arith.addi %mul3A_12, %add3A_13 : i32
    "tpu.region"() ({
      %run_scoped3A_64 = tpu.sem_alloc : memref<!tpu.dma_semaphore, #tpu.memory_space<semaphore_mem>>
      %dma_start3A_65 = arith.constant 0 : i32
      %dma_start3A_66 = tpu.memref_slice %arg11[%add3A_14, %dma_start3A_65] : memref<10000x64xf32, #tpu.memory_space<vmem_shared>> -> memref<125x64xf32, #tpu.memory_space<vmem_shared>>
      %dma_start3A_67 = arith.constant 0 : i32
      %dma_start3A_68 = tpu.memref_slice %arg11[%add3A_14, %dma_start3A_67] : memref<10000x64xf32, #tpu.memory_space<vmem_shared>> -> memref<125x64xf32, #tpu.memory_space<vmem_shared>>
      tpu.enqueue_dma source(%arg9 : memref<125x64xf32, #tpu.memory_space<vmem>>) target(%dma_start3A_68 : memref<125x64xf32, #tpu.memory_space<vmem_shared>>) target_semaphore(%run_scoped3A_64 : memref<!tpu.dma_semaphore, #tpu.memory_space<semaphore_mem>>)
      %dma_wait3A = arith.constant 0 : i32
      %dma_wait3A_69 = tpu.memref_slice %arg11[%add3A_14, %dma_wait3A] : memref<10000x64xf32, #tpu.memory_space<vmem_shared>> -> memref<125x64xf32, #tpu.memory_space<vmem_shared>>
      %dma_wait3A_70 = arith.constant 0 : i32
      %dma_wait3A_71 = tpu.memref_slice %arg11[%add3A_14, %dma_wait3A_70] : memref<10000x64xf32, #tpu.memory_space<vmem_shared>> -> memref<125x64xf32, #tpu.memory_space<vmem_shared>>
      tpu.wait_dma2 semaphore(%run_scoped3A_64 : memref<!tpu.dma_semaphore, #tpu.memory_space<semaphore_mem>>) src(%arg9 : memref<125x64xf32, #tpu.memory_space<vmem>>) dst(%dma_wait3A_71 : memref<125x64xf32, #tpu.memory_space<vmem_shared>>)
      tpu.yield
    }) : () -> ()
    %mul3A_15 = arith.constant 625 : i32
    %mul3A_16 = arith.muli %arg1, %mul3A_15 : i32
    %add3A_17 = arith.constant 375 : i32
    %add3A_18 = arith.addi %mul3A_16, %add3A_17 : i32
    "tpu.region"() ({
      %run_scoped3A_64 = tpu.sem_alloc : memref<!tpu.dma_semaphore, #tpu.memory_space<semaphore_mem>>
      %dma_start3A_65 = arith.constant 0 : i32
      %dma_start3A_66 = tpu.memref_slice %arg11[%add3A_18, %dma_start3A_65] : memref<10000x64xf32, #tpu.memory_space<vmem_shared>> -> memref<125x64xf32, #tpu.memory_space<vmem_shared>>
      %dma_start3A_67 = arith.constant 0 : i32
      %dma_start3A_68 = tpu.memref_slice %arg11[%add3A_18, %dma_start3A_67] : memref<10000x64xf32, #tpu.memory_space<vmem_shared>> -> memref<125x64xf32, #tpu.memory_space<vmem_shared>>
      tpu.enqueue_dma source(%arg9 : memref<125x64xf32, #tpu.memory_space<vmem>>) target(%dma_start3A_68 : memref<125x64xf32, #tpu.memory_space<vmem_shared>>) target_semaphore(%run_scoped3A_64 : memref<!tpu.dma_semaphore, #tpu.memory_space<semaphore_mem>>)
      %dma_wait3A = arith.constant 0 : i32
      %dma_wait3A_69 = tpu.memref_slice %arg11[%add3A_18, %dma_wait3A] : memref<10000x64xf32, #tpu.memory_space<vmem_shared>> -> memref<125x64xf32, #tpu.memory_space<vmem_shared>>
      %dma_wait3A_70 = arith.constant 0 : i32
      %dma_wait3A_71 = tpu.memref_slice %arg11[%add3A_18, %dma_wait3A_70] : memref<10000x64xf32, #tpu.memory_space<vmem_shared>> -> memref<125x64xf32, #tpu.memory_space<vmem_shared>>
      tpu.wait_dma2 semaphore(%run_scoped3A_64 : memref<!tpu.dma_semaphore, #tpu.memory_space<semaphore_mem>>) src(%arg9 : memref<125x64xf32, #tpu.memory_space<vmem>>) dst(%dma_wait3A_71 : memref<125x64xf32, #tpu.memory_space<vmem_shared>>)
      tpu.yield
    }) : () -> ()
    %mul3A_19 = arith.constant 625 : i32
    %mul3A_20 = arith.muli %arg1, %mul3A_19 : i32
    %add3A_21 = arith.constant 500 : i32
    %add3A_22 = arith.addi %mul3A_20, %add3A_21 : i32
    "tpu.region"() ({
      %run_scoped3A_64 = tpu.sem_alloc : memref<!tpu.dma_semaphore, #tpu.memory_space<semaphore_mem>>
      %dma_start3A_65 = arith.constant 0 : i32
      %dma_start3A_66 = tpu.memref_slice %arg11[%add3A_22, %dma_start3A_65] : memref<10000x64xf32, #tpu.memory_space<vmem_shared>> -> memref<125x64xf32, #tpu.memory_space<vmem_shared>>
      %dma_start3A_67 = arith.constant 0 : i32
      %dma_start3A_68 = tpu.memref_slice %arg11[%add3A_22, %dma_start3A_67] : memref<10000x64xf32, #tpu.memory_space<vmem_shared>> -> memref<125x64xf32, #tpu.memory_space<vmem_shared>>
      tpu.enqueue_dma source(%arg9 : memref<125x64xf32, #tpu.memory_space<vmem>>) target(%dma_start3A_68 : memref<125x64xf32, #tpu.memory_space<vmem_shared>>) target_semaphore(%run_scoped3A_64 : memref<!tpu.dma_semaphore, #tpu.memory_space<semaphore_mem>>)
      %dma_wait3A = arith.constant 0 : i32
      %dma_wait3A_69 = tpu.memref_slice %arg11[%add3A_22, %dma_wait3A] : memref<10000x64xf32, #tpu.memory_space<vmem_shared>> -> memref<125x64xf32, #tpu.memory_space<vmem_shared>>
      %dma_wait3A_70 = arith.constant 0 : i32
      %dma_wait3A_71 = tpu.memref_slice %arg11[%add3A_22, %dma_wait3A_70] : memref<10000x64xf32, #tpu.memory_space<vmem_shared>> -> memref<125x64xf32, #tpu.memory_space<vmem_shared>>
      tpu.wait_dma2 semaphore(%run_scoped3A_64 : memref<!tpu.dma_semaphore, #tpu.memory_space<semaphore_mem>>) src(%arg9 : memref<125x64xf32, #tpu.memory_space<vmem>>) dst(%dma_wait3A_71 : memref<125x64xf32, #tpu.memory_space<vmem_shared>>)
      tpu.yield
    }) : () -> ()
    %run_scoped3A = arith.constant 0 : i32
    "tpu.region"() ({
      %run_scoped3A_64 = tpu.sem_alloc : memref<!tpu.dma_semaphore, #tpu.memory_space<semaphore_mem>>
      %dma_start3A_65 = arith.constant 0 : i32
      %dma_start3A_66 = arith.constant 0 : i32
      %dma_start3A_67 = tpu.memref_slice %arg3[%run_scoped3A, %add3A, %dma_start3A_65, %dma_start3A_66] : memref<2x32x80x125xi32, #tpu.memory_space<hbm>> -> memref<1x1x80x125xi32, #tpu.memory_space<hbm>>
      %dma_start3A_68 = tpu.memref_squeeze %dma_start3A_67 : memref<1x1x80x125xi32, #tpu.memory_space<hbm>> -> memref<80x125xi32, #tpu.memory_space<hbm>>
      %dma_start3A_69 = arith.constant 0 : i32
      %dma_start3A_70 = arith.constant 0 : i32
      %dma_start3A_71 = tpu.memref_slice %arg3[%run_scoped3A, %add3A, %dma_start3A_69, %dma_start3A_70] : memref<2x32x80x125xi32, #tpu.memory_space<hbm>> -> memref<1x1x80x125xi32, #tpu.memory_space<hbm>>
      %dma_start3A_72 = tpu.memref_squeeze %dma_start3A_71 : memref<1x1x80x125xi32, #tpu.memory_space<hbm>> -> memref<80x125xi32, #tpu.memory_space<hbm>>
      tpu.enqueue_dma source(%dma_start3A_72 : memref<80x125xi32, #tpu.memory_space<hbm>>) target(%arg6 : memref<80x125xi32, #tpu.memory_space<vmem>>) target_semaphore(%run_scoped3A_64 : memref<!tpu.dma_semaphore, #tpu.memory_space<semaphore_mem>>)
      %dma_wait3A = arith.constant 0 : i32
      %dma_wait3A_73 = arith.constant 0 : i32
      %dma_wait3A_74 = tpu.memref_slice %arg3[%run_scoped3A, %add3A, %dma_wait3A, %dma_wait3A_73] : memref<2x32x80x125xi32, #tpu.memory_space<hbm>> -> memref<1x1x80x125xi32, #tpu.memory_space<hbm>>
      %dma_wait3A_75 = tpu.memref_squeeze %dma_wait3A_74 : memref<1x1x80x125xi32, #tpu.memory_space<hbm>> -> memref<80x125xi32, #tpu.memory_space<hbm>>
      %dma_wait3A_76 = arith.constant 0 : i32
      %dma_wait3A_77 = arith.constant 0 : i32
      %dma_wait3A_78 = tpu.memref_slice %arg3[%run_scoped3A, %add3A, %dma_wait3A_76, %dma_wait3A_77] : memref<2x32x80x125xi32, #tpu.memory_space<hbm>> -> memref<1x1x80x125xi32, #tpu.memory_space<hbm>>
      %dma_wait3A_79 = tpu.memref_squeeze %dma_wait3A_78 : memref<1x1x80x125xi32, #tpu.memory_space<hbm>> -> memref<80x125xi32, #tpu.memory_space<hbm>>
      tpu.wait_dma2 semaphore(%run_scoped3A_64 : memref<!tpu.dma_semaphore, #tpu.memory_space<semaphore_mem>>) src(%dma_wait3A_79 : memref<80x125xi32, #tpu.memory_space<hbm>>) dst(%arg6 : memref<80x125xi32, #tpu.memory_space<vmem>>)
      tpu.yield
    }) : () -> ()
    %run_scoped3A_23 = arith.constant 1 : i32
    "tpu.region"() ({
      %run_scoped3A_64 = tpu.sem_alloc : memref<!tpu.dma_semaphore, #tpu.memory_space<semaphore_mem>>
      %dma_start3A_65 = arith.constant 0 : i32
      %dma_start3A_66 = arith.constant 0 : i32
      %dma_start3A_67 = tpu.memref_slice %arg3[%run_scoped3A_23, %add3A, %dma_start3A_65, %dma_start3A_66] : memref<2x32x80x125xi32, #tpu.memory_space<hbm>> -> memref<1x1x80x125xi32, #tpu.memory_space<hbm>>
      %dma_start3A_68 = tpu.memref_squeeze %dma_start3A_67 : memref<1x1x80x125xi32, #tpu.memory_space<hbm>> -> memref<80x125xi32, #tpu.memory_space<hbm>>
      %dma_start3A_69 = arith.constant 0 : i32
      %dma_start3A_70 = arith.constant 0 : i32
      %dma_start3A_71 = tpu.memref_slice %arg3[%run_scoped3A_23, %add3A, %dma_start3A_69, %dma_start3A_70] : memref<2x32x80x125xi32, #tpu.memory_space<hbm>> -> memref<1x1x80x125xi32, #tpu.memory_space<hbm>>
      %dma_start3A_72 = tpu.memref_squeeze %dma_start3A_71 : memref<1x1x80x125xi32, #tpu.memory_space<hbm>> -> memref<80x125xi32, #tpu.memory_space<hbm>>
      tpu.enqueue_dma source(%dma_start3A_72 : memref<80x125xi32, #tpu.memory_space<hbm>>) target(%arg7 : memref<80x125xi32, #tpu.memory_space<vmem>>) target_semaphore(%run_scoped3A_64 : memref<!tpu.dma_semaphore, #tpu.memory_space<semaphore_mem>>)
      %dma_wait3A = arith.constant 0 : i32
      %dma_wait3A_73 = arith.constant 0 : i32
      %dma_wait3A_74 = tpu.memref_slice %arg3[%run_scoped3A_23, %add3A, %dma_wait3A, %dma_wait3A_73] : memref<2x32x80x125xi32, #tpu.memory_space<hbm>> -> memref<1x1x80x125xi32, #tpu.memory_space<hbm>>
      %dma_wait3A_75 = tpu.memref_squeeze %dma_wait3A_74 : memref<1x1x80x125xi32, #tpu.memory_space<hbm>> -> memref<80x125xi32, #tpu.memory_space<hbm>>
      %dma_wait3A_76 = arith.constant 0 : i32
      %dma_wait3A_77 = arith.constant 0 : i32
      %dma_wait3A_78 = tpu.memref_slice %arg3[%run_scoped3A_23, %add3A, %dma_wait3A_76, %dma_wait3A_77] : memref<2x32x80x125xi32, #tpu.memory_space<hbm>> -> memref<1x1x80x125xi32, #tpu.memory_space<hbm>>
      %dma_wait3A_79 = tpu.memref_squeeze %dma_wait3A_78 : memref<1x1x80x125xi32, #tpu.memory_space<hbm>> -> memref<80x125xi32, #tpu.memory_space<hbm>>
      tpu.wait_dma2 semaphore(%run_scoped3A_64 : memref<!tpu.dma_semaphore, #tpu.memory_space<semaphore_mem>>) src(%dma_wait3A_79 : memref<80x125xi32, #tpu.memory_space<hbm>>) dst(%arg7 : memref<80x125xi32, #tpu.memory_space<vmem>>)
      tpu.yield
    }) : () -> ()
    %barrier3A = arith.constant 0 : index
    tpu.barrier barrier_id(%barrier3A)
    %dma_start3A = arith.constant 0 : i32
    %dma_start3A_24 = arith.constant 0 : i32
    %dma_start3A_25 = arith.constant 0 : i32
    %dma_start3A_26 = arith.constant 0 : i32
    %dma_start3A_27 = arith.constant 0 : i32
    %dma_start3A_28 = tpu.memref_slice %arg8[%dma_start3A_24, %dma_start3A_26, %dma_start3A_27] : memref<2x125x64xf32, #tpu.memory_space<vmem>> -> memref<1x125x64xf32, #tpu.memory_space<vmem>>
    %dma_start3A_29 = tpu.memref_squeeze %dma_start3A_28 : memref<1x125x64xf32, #tpu.memory_space<vmem>> -> memref<125x64xf32, #tpu.memory_space<vmem>>
    %dma_start3A_30 = arith.constant 0 : i32
    %dma_start3A_31 = tpu.memref_slice %arg6[%dma_start3A, %dma_start3A_30] : memref<80x125xi32, #tpu.memory_space<vmem>> -> memref<1x125xi32, #tpu.memory_space<vmem>>
    %dma_start3A_32 = tpu.memref_squeeze %dma_start3A_31 : memref<1x125xi32, #tpu.memory_space<vmem>> -> memref<125xi32, #tpu.memory_space<vmem>>
    %dma_start3A_33 = arith.constant 0 : i32
    %dma_start3A_34 = arith.constant 0 : i32
    %dma_start3A_35 = tpu.memref_slice %arg12[%dma_start3A_33, %dma_start3A_34] : memref<10000x64xf32, #tpu.memory_space<vmem_shared>> -> memref<10000x64xf32, #tpu.memory_space<vmem_shared>>
    %dma_start3A_36 = tpu.memref_slice %arg10[%dma_start3A_25] : memref<2x!tpu.dma_semaphore, #tpu.memory_space<semaphore_mem>> -> memref<1x!tpu.dma_semaphore, #tpu.memory_space<semaphore_mem>>
    %dma_start3A_37 = tpu.memref_squeeze %dma_start3A_36 : memref<1x!tpu.dma_semaphore, #tpu.memory_space<semaphore_mem>> -> memref<!tpu.dma_semaphore, #tpu.memory_space<semaphore_mem>>
    tpu.enqueue_indirect_dma source(%dma_start3A_35 : memref<10000x64xf32, #tpu.memory_space<vmem_shared>>) target(%dma_start3A_29 : memref<125x64xf32, #tpu.memory_space<vmem>>) offsets(%dma_start3A_32 : memref<125xi32, #tpu.memory_space<vmem>>) semaphore(%dma_start3A_37 : memref<!tpu.dma_semaphore, #tpu.memory_space<semaphore_mem>>)
    %scan3A = arith.constant 0 : i32
    %scan3A_38 = arith.constant 0 : i32
    %scan3A_39 = arith.constant 80 : i32
    %scan3A_40 = arith.addi %scan3A_38, %scan3A_39 : i32
    %scan3A_41 = arith.constant 1 : i32
    scf.for %scan3A_64 = %scan3A_38 to %scan3A_40 step %scan3A_41  : i32 {
      %rem3A = arith.constant 2 : i32
      %rem3A_65 = arith.remsi %scan3A_64, %rem3A : i32
      %add3A_66 = arith.constant 2 : i32
      %add3A_67 = arith.addi %scan3A_64, %add3A_66 : i32
      %sub3A = arith.constant 1 : i32
      %sub3A_68 = arith.subi %add3A_67, %sub3A : i32
      %lt3A = arith.constant 80 : i32
      %lt3A_69 = arith.cmpi slt, %sub3A_68, %lt3A : i32
      %convert_element_type3A = arith.extui %lt3A_69 : i1 to i32
      %cond3A = arith.constant 0 : i32
      %cond3A_70 = arith.cmpi ne, %convert_element_type3A, %cond3A : i32
      scf.if %cond3A_70 {
        %add3A_82 = arith.constant 2 : i32
        %add3A_83 = arith.addi %scan3A_64, %add3A_82 : i32
        %sub3A_84 = arith.constant 1 : i32
        %sub3A_85 = arith.subi %add3A_83, %sub3A_84 : i32
        %rem3A_86 = arith.constant 2 : i32
        %rem3A_87 = arith.remsi %sub3A_85, %rem3A_86 : i32
        %add3A_88 = arith.constant 2 : i32
        %add3A_89 = arith.addi %scan3A_64, %add3A_88 : i32
        %sub3A_90 = arith.constant 1 : i32
        %sub3A_91 = arith.subi %add3A_89, %sub3A_90 : i32
        %dma_start3A_92 = arith.constant 0 : i32
        %dma_start3A_93 = arith.constant 0 : i32
        %dma_start3A_94 = tpu.memref_slice %arg8[%rem3A_87, %dma_start3A_92, %dma_start3A_93] : memref<2x125x64xf32, #tpu.memory_space<vmem>> -> memref<1x125x64xf32, #tpu.memory_space<vmem>>
        %dma_start3A_95 = tpu.memref_squeeze %dma_start3A_94 : memref<1x125x64xf32, #tpu.memory_space<vmem>> -> memref<125x64xf32, #tpu.memory_space<vmem>>
        %dma_start3A_96 = arith.constant 0 : i32
        %dma_start3A_97 = tpu.memref_slice %arg6[%sub3A_91, %dma_start3A_96] : memref<80x125xi32, #tpu.memory_space<vmem>> -> memref<1x125xi32, #tpu.memory_space<vmem>>
        %dma_start3A_98 = tpu.memref_squeeze %dma_start3A_97 : memref<1x125xi32, #tpu.memory_space<vmem>> -> memref<125xi32, #tpu.memory_space<vmem>>
        %dma_start3A_99 = arith.constant 0 : i32
        %dma_start3A_100 = arith.constant 0 : i32
        %dma_start3A_101 = tpu.memref_slice %arg12[%dma_start3A_99, %dma_start3A_100] : memref<10000x64xf32, #tpu.memory_space<vmem_shared>> -> memref<10000x64xf32, #tpu.memory_space<vmem_shared>>
        %dma_start3A_102 = tpu.memref_slice %arg10[%rem3A_87] : memref<2x!tpu.dma_semaphore, #tpu.memory_space<semaphore_mem>> -> memref<1x!tpu.dma_semaphore, #tpu.memory_space<semaphore_mem>>
        %dma_start3A_103 = tpu.memref_squeeze %dma_start3A_102 : memref<1x!tpu.dma_semaphore, #tpu.memory_space<semaphore_mem>> -> memref<!tpu.dma_semaphore, #tpu.memory_space<semaphore_mem>>
        tpu.enqueue_indirect_dma source(%dma_start3A_101 : memref<10000x64xf32, #tpu.memory_space<vmem_shared>>) target(%dma_start3A_95 : memref<125x64xf32, #tpu.memory_space<vmem>>) offsets(%dma_start3A_98 : memref<125xi32, #tpu.memory_space<vmem>>) semaphore(%dma_start3A_103 : memref<!tpu.dma_semaphore, #tpu.memory_space<semaphore_mem>>)
      } else {
      }
      %dma_wait3A = arith.constant 0 : i32
      %dma_wait3A_71 = arith.constant 0 : i32
      %dma_wait3A_72 = tpu.memref_slice %arg8[%rem3A_65, %dma_wait3A, %dma_wait3A_71] : memref<2x125x64xf32, #tpu.memory_space<vmem>> -> memref<1x125x64xf32, #tpu.memory_space<vmem>>
      %dma_wait3A_73 = tpu.memref_squeeze %dma_wait3A_72 : memref<1x125x64xf32, #tpu.memory_space<vmem>> -> memref<125x64xf32, #tpu.memory_space<vmem>>
      %dma_wait3A_74 = arith.constant 0 : i32
      %dma_wait3A_75 = tpu.memref_slice %arg6[%scan3A_64, %dma_wait3A_74] : memref<80x125xi32, #tpu.memory_space<vmem>> -> memref<1x125xi32, #tpu.memory_space<vmem>>
      %dma_wait3A_76 = tpu.memref_squeeze %dma_wait3A_75 : memref<1x125xi32, #tpu.memory_space<vmem>> -> memref<125xi32, #tpu.memory_space<vmem>>
      %dma_wait3A_77 = arith.constant 0 : i32
      %dma_wait3A_78 = arith.constant 0 : i32
      %dma_wait3A_79 = tpu.memref_slice %arg12[%dma_wait3A_77, %dma_wait3A_78] : memref<10000x64xf32, #tpu.memory_space<vmem_shared>> -> memref<10000x64xf32, #tpu.memory_space<vmem_shared>>
      %dma_wait3A_80 = tpu.memref_slice %arg10[%rem3A_65] : memref<2x!tpu.dma_semaphore, #tpu.memory_space<semaphore_mem>> -> memref<1x!tpu.dma_semaphore, #tpu.memory_space<semaphore_mem>>
      %dma_wait3A_81 = tpu.memref_squeeze %dma_wait3A_80 : memref<1x!tpu.dma_semaphore, #tpu.memory_space<semaphore_mem>> -> memref<!tpu.dma_semaphore, #tpu.memory_space<semaphore_mem>>
      tpu.wait_indirect_dma semaphore(%dma_wait3A_81 : memref<!tpu.dma_semaphore, #tpu.memory_space<semaphore_mem>>) src(%dma_wait3A_79 : memref<10000x64xf32, #tpu.memory_space<vmem_shared>>) dst(%dma_wait3A_73 : memref<125x64xf32, #tpu.memory_space<vmem>>)
      "tpu.region"() ({
        %run_scoped3A_82 = tpu.sem_alloc : memref<!tpu.dma_semaphore, #tpu.memory_space<semaphore_mem>>
        %dma_start3A_83 = arith.constant 0 : i32
        %dma_start3A_84 = arith.constant 0 : i32
        %dma_start3A_85 = tpu.memref_slice %arg8[%rem3A_65, %dma_start3A_83, %dma_start3A_84] : memref<2x125x64xf32, #tpu.memory_space<vmem>> -> memref<1x125x64xf32, #tpu.memory_space<vmem>>
        %dma_start3A_86 = tpu.memref_squeeze %dma_start3A_85 : memref<1x125x64xf32, #tpu.memory_space<vmem>> -> memref<125x64xf32, #tpu.memory_space<vmem>>
        %dma_start3A_87 = arith.constant 0 : i32
        %dma_start3A_88 = tpu.memref_slice %arg7[%scan3A_64, %dma_start3A_87] : memref<80x125xi32, #tpu.memory_space<vmem>> -> memref<1x125xi32, #tpu.memory_space<vmem>>
        %dma_start3A_89 = tpu.memref_squeeze %dma_start3A_88 : memref<1x125xi32, #tpu.memory_space<vmem>> -> memref<125xi32, #tpu.memory_space<vmem>>
        %dma_start3A_90 = arith.constant 0 : i32
        %dma_start3A_91 = arith.constant 0 : i32
        %dma_start3A_92 = tpu.memref_slice %arg11[%dma_start3A_90, %dma_start3A_91] : memref<10000x64xf32, #tpu.memory_space<vmem_shared>> -> memref<10000x64xf32, #tpu.memory_space<vmem_shared>>
        tpu.enqueue_indirect_dma source(%dma_start3A_86 : memref<125x64xf32, #tpu.memory_space<vmem>>) target(%dma_start3A_92 : memref<10000x64xf32, #tpu.memory_space<vmem_shared>>) offsets(%dma_start3A_89 : memref<125xi32, #tpu.memory_space<vmem>>) semaphore(%run_scoped3A_82 : memref<!tpu.dma_semaphore, #tpu.memory_space<semaphore_mem>>) {add = true}
        %dma_wait3A_93 = arith.constant 0 : i32
        %dma_wait3A_94 = arith.constant 0 : i32
        %dma_wait3A_95 = tpu.memref_slice %arg8[%rem3A_65, %dma_wait3A_93, %dma_wait3A_94] : memref<2x125x64xf32, #tpu.memory_space<vmem>> -> memref<1x125x64xf32, #tpu.memory_space<vmem>>
        %dma_wait3A_96 = tpu.memref_squeeze %dma_wait3A_95 : memref<1x125x64xf32, #tpu.memory_space<vmem>> -> memref<125x64xf32, #tpu.memory_space<vmem>>
        %dma_wait3A_97 = arith.constant 0 : i32
        %dma_wait3A_98 = tpu.memref_slice %arg7[%scan3A_64, %dma_wait3A_97] : memref<80x125xi32, #tpu.memory_space<vmem>> -> memref<1x125xi32, #tpu.memory_space<vmem>>
        %dma_wait3A_99 = tpu.memref_squeeze %dma_wait3A_98 : memref<1x125xi32, #tpu.memory_space<vmem>> -> memref<125xi32, #tpu.memory_space<vmem>>
        %dma_wait3A_100 = arith.constant 0 : i32
        %dma_wait3A_101 = arith.constant 0 : i32
        %dma_wait3A_102 = tpu.memref_slice %arg11[%dma_wait3A_100, %dma_wait3A_101] : memref<10000x64xf32, #tpu.memory_space<vmem_shared>> -> memref<10000x64xf32, #tpu.memory_space<vmem_shared>>
        tpu.wait_indirect_dma semaphore(%run_scoped3A_82 : memref<!tpu.dma_semaphore, #tpu.memory_space<semaphore_mem>>) src(%dma_wait3A_96 : memref<125x64xf32, #tpu.memory_space<vmem>>) dst(%dma_wait3A_102 : memref<10000x64xf32, #tpu.memory_space<vmem_shared>>)
        tpu.yield
      }) : () -> ()
    }
    %scan3A_42 = arith.constant 80 : i32
    %barrier3A_43 = arith.constant 0 : index
    tpu.barrier barrier_id(%barrier3A_43)
    %mul3A_44 = arith.constant 625 : i32
    %mul3A_45 = arith.muli %arg1, %mul3A_44 : i32
    %add3A_46 = arith.constant 0 : i32
    %add3A_47 = arith.addi %mul3A_45, %add3A_46 : i32
    "tpu.region"() ({
      %run_scoped3A_64 = tpu.sem_alloc : memref<!tpu.dma_semaphore, #tpu.memory_space<semaphore_mem>>
      %dma_start3A_65 = arith.constant 0 : i32
      %dma_start3A_66 = tpu.memref_slice %arg11[%add3A_47, %dma_start3A_65] : memref<10000x64xf32, #tpu.memory_space<vmem_shared>> -> memref<125x64xf32, #tpu.memory_space<vmem_shared>>
      %dma_start3A_67 = arith.constant 0 : i32
      %dma_start3A_68 = tpu.memref_slice %arg11[%add3A_47, %dma_start3A_67] : memref<10000x64xf32, #tpu.memory_space<vmem_shared>> -> memref<125x64xf32, #tpu.memory_space<vmem_shared>>
      tpu.enqueue_dma source(%dma_start3A_68 : memref<125x64xf32, #tpu.memory_space<vmem_shared>>) target(%arg9 : memref<125x64xf32, #tpu.memory_space<vmem>>) target_semaphore(%run_scoped3A_64 : memref<!tpu.dma_semaphore, #tpu.memory_space<semaphore_mem>>)
      %dma_wait3A = arith.constant 0 : i32
      %dma_wait3A_69 = tpu.memref_slice %arg11[%add3A_47, %dma_wait3A] : memref<10000x64xf32, #tpu.memory_space<vmem_shared>> -> memref<125x64xf32, #tpu.memory_space<vmem_shared>>
      %dma_wait3A_70 = arith.constant 0 : i32
      %dma_wait3A_71 = tpu.memref_slice %arg11[%add3A_47, %dma_wait3A_70] : memref<10000x64xf32, #tpu.memory_space<vmem_shared>> -> memref<125x64xf32, #tpu.memory_space<vmem_shared>>
      tpu.wait_dma2 semaphore(%run_scoped3A_64 : memref<!tpu.dma_semaphore, #tpu.memory_space<semaphore_mem>>) src(%dma_wait3A_71 : memref<125x64xf32, #tpu.memory_space<vmem_shared>>) dst(%arg9 : memref<125x64xf32, #tpu.memory_space<vmem>>)
      tpu.yield
    }) : () -> ()
    "tpu.region"() ({
      %run_scoped3A_64 = tpu.sem_alloc : memref<!tpu.dma_semaphore, #tpu.memory_space<semaphore_mem>>
      %dma_start3A_65 = arith.constant 0 : i32
      %dma_start3A_66 = tpu.memref_slice %arg5[%arg0, %add3A_47, %dma_start3A_65] : memref<2x10000x64xf32, #tpu.memory_space<hbm>> -> memref<1x125x64xf32, #tpu.memory_space<hbm>>
      %dma_start3A_67 = tpu.memref_squeeze %dma_start3A_66 : memref<1x125x64xf32, #tpu.memory_space<hbm>> -> memref<125x64xf32, #tpu.memory_space<hbm>>
      %dma_start3A_68 = arith.constant 0 : i32
      %dma_start3A_69 = tpu.memref_slice %arg5[%arg0, %add3A_47, %dma_start3A_68] : memref<2x10000x64xf32, #tpu.memory_space<hbm>> -> memref<1x125x64xf32, #tpu.memory_space<hbm>>
      %dma_start3A_70 = tpu.memref_squeeze %dma_start3A_69 : memref<1x125x64xf32, #tpu.memory_space<hbm>> -> memref<125x64xf32, #tpu.memory_space<hbm>>
      tpu.enqueue_dma source(%arg9 : memref<125x64xf32, #tpu.memory_space<vmem>>) target(%dma_start3A_70 : memref<125x64xf32, #tpu.memory_space<hbm>>) target_semaphore(%run_scoped3A_64 : memref<!tpu.dma_semaphore, #tpu.memory_space<semaphore_mem>>)
      %dma_wait3A = arith.constant 0 : i32
      %dma_wait3A_71 = tpu.memref_slice %arg5[%arg0, %add3A_47, %dma_wait3A] : memref<2x10000x64xf32, #tpu.memory_space<hbm>> -> memref<1x125x64xf32, #tpu.memory_space<hbm>>
      %dma_wait3A_72 = tpu.memref_squeeze %dma_wait3A_71 : memref<1x125x64xf32, #tpu.memory_space<hbm>> -> memref<125x64xf32, #tpu.memory_space<hbm>>
      %dma_wait3A_73 = arith.constant 0 : i32
      %dma_wait3A_74 = tpu.memref_slice %arg5[%arg0, %add3A_47, %dma_wait3A_73] : memref<2x10000x64xf32, #tpu.memory_space<hbm>> -> memref<1x125x64xf32, #tpu.memory_space<hbm>>
      %dma_wait3A_75 = tpu.memref_squeeze %dma_wait3A_74 : memref<1x125x64xf32, #tpu.memory_space<hbm>> -> memref<125x64xf32, #tpu.memory_space<hbm>>
      tpu.wait_dma2 semaphore(%run_scoped3A_64 : memref<!tpu.dma_semaphore, #tpu.memory_space<semaphore_mem>>) src(%arg9 : memref<125x64xf32, #tpu.memory_space<vmem>>) dst(%dma_wait3A_75 : memref<125x64xf32, #tpu.memory_space<hbm>>)
      tpu.yield
    }) : () -> ()
    %mul3A_48 = arith.constant 625 : i32
    %mul3A_49 = arith.muli %arg1, %mul3A_48 : i32
    %add3A_50 = arith.constant 125 : i32
    %add3A_51 = arith.addi %mul3A_49, %add3A_50 : i32
    "tpu.region"() ({
      %run_scoped3A_64 = tpu.sem_alloc : memref<!tpu.dma_semaphore, #tpu.memory_space<semaphore_mem>>
      %dma_start3A_65 = arith.constant 0 : i32
      %dma_start3A_66 = tpu.memref_slice %arg11[%add3A_51, %dma_start3A_65] : memref<10000x64xf32, #tpu.memory_space<vmem_shared>> -> memref<125x64xf32, #tpu.memory_space<vmem_shared>>
      %dma_start3A_67 = arith.constant 0 : i32
      %dma_start3A_68 = tpu.memref_slice %arg11[%add3A_51, %dma_start3A_67] : memref<10000x64xf32, #tpu.memory_space<vmem_shared>> -> memref<125x64xf32, #tpu.memory_space<vmem_shared>>
      tpu.enqueue_dma source(%dma_start3A_68 : memref<125x64xf32, #tpu.memory_space<vmem_shared>>) target(%arg9 : memref<125x64xf32, #tpu.memory_space<vmem>>) target_semaphore(%run_scoped3A_64 : memref<!tpu.dma_semaphore, #tpu.memory_space<semaphore_mem>>)
      %dma_wait3A = arith.constant 0 : i32
      %dma_wait3A_69 = tpu.memref_slice %arg11[%add3A_51, %dma_wait3A] : memref<10000x64xf32, #tpu.memory_space<vmem_shared>> -> memref<125x64xf32, #tpu.memory_space<vmem_shared>>
      %dma_wait3A_70 = arith.constant 0 : i32
      %dma_wait3A_71 = tpu.memref_slice %arg11[%add3A_51, %dma_wait3A_70] : memref<10000x64xf32, #tpu.memory_space<vmem_shared>> -> memref<125x64xf32, #tpu.memory_space<vmem_shared>>
      tpu.wait_dma2 semaphore(%run_scoped3A_64 : memref<!tpu.dma_semaphore, #tpu.memory_space<semaphore_mem>>) src(%dma_wait3A_71 : memref<125x64xf32, #tpu.memory_space<vmem_shared>>) dst(%arg9 : memref<125x64xf32, #tpu.memory_space<vmem>>)
      tpu.yield
    }) : () -> ()
    "tpu.region"() ({
      %run_scoped3A_64 = tpu.sem_alloc : memref<!tpu.dma_semaphore, #tpu.memory_space<semaphore_mem>>
      %dma_start3A_65 = arith.constant 0 : i32
      %dma_start3A_66 = tpu.memref_slice %arg5[%arg0, %add3A_51, %dma_start3A_65] : memref<2x10000x64xf32, #tpu.memory_space<hbm>> -> memref<1x125x64xf32, #tpu.memory_space<hbm>>
      %dma_start3A_67 = tpu.memref_squeeze %dma_start3A_66 : memref<1x125x64xf32, #tpu.memory_space<hbm>> -> memref<125x64xf32, #tpu.memory_space<hbm>>
      %dma_start3A_68 = arith.constant 0 : i32
      %dma_start3A_69 = tpu.memref_slice %arg5[%arg0, %add3A_51, %dma_start3A_68] : memref<2x10000x64xf32, #tpu.memory_space<hbm>> -> memref<1x125x64xf32, #tpu.memory_space<hbm>>
      %dma_start3A_70 = tpu.memref_squeeze %dma_start3A_69 : memref<1x125x64xf32, #tpu.memory_space<hbm>> -> memref<125x64xf32, #tpu.memory_space<hbm>>
      tpu.enqueue_dma source(%arg9 : memref<125x64xf32, #tpu.memory_space<vmem>>) target(%dma_start3A_70 : memref<125x64xf32, #tpu.memory_space<hbm>>) target_semaphore(%run_scoped3A_64 : memref<!tpu.dma_semaphore, #tpu.memory_space<semaphore_mem>>)
      %dma_wait3A = arith.constant 0 : i32
      %dma_wait3A_71 = tpu.memref_slice %arg5[%arg0, %add3A_51, %dma_wait3A] : memref<2x10000x64xf32, #tpu.memory_space<hbm>> -> memref<1x125x64xf32, #tpu.memory_space<hbm>>
      %dma_wait3A_72 = tpu.memref_squeeze %dma_wait3A_71 : memref<1x125x64xf32, #tpu.memory_space<hbm>> -> memref<125x64xf32, #tpu.memory_space<hbm>>
      %dma_wait3A_73 = arith.constant 0 : i32
      %dma_wait3A_74 = tpu.memref_slice %arg5[%arg0, %add3A_51, %dma_wait3A_73] : memref<2x10000x64xf32, #tpu.memory_space<hbm>> -> memref<1x125x64xf32, #tpu.memory_space<hbm>>
      %dma_wait3A_75 = tpu.memref_squeeze %dma_wait3A_74 : memref<1x125x64xf32, #tpu.memory_space<hbm>> -> memref<125x64xf32, #tpu.memory_space<hbm>>
      tpu.wait_dma2 semaphore(%run_scoped3A_64 : memref<!tpu.dma_semaphore, #tpu.memory_space<semaphore_mem>>) src(%arg9 : memref<125x64xf32, #tpu.memory_space<vmem>>) dst(%dma_wait3A_75 : memref<125x64xf32, #tpu.memory_space<hbm>>)
      tpu.yield
    }) : () -> ()
    %mul3A_52 = arith.constant 625 : i32
    %mul3A_53 = arith.muli %arg1, %mul3A_52 : i32
    %add3A_54 = arith.constant 250 : i32
    %add3A_55 = arith.addi %mul3A_53, %add3A_54 : i32
    "tpu.region"() ({
      %run_scoped3A_64 = tpu.sem_alloc : memref<!tpu.dma_semaphore, #tpu.memory_space<semaphore_mem>>
      %dma_start3A_65 = arith.constant 0 : i32
      %dma_start3A_66 = tpu.memref_slice %arg11[%add3A_55, %dma_start3A_65] : memref<10000x64xf32, #tpu.memory_space<vmem_shared>> -> memref<125x64xf32, #tpu.memory_space<vmem_shared>>
      %dma_start3A_67 = arith.constant 0 : i32
      %dma_start3A_68 = tpu.memref_slice %arg11[%add3A_55, %dma_start3A_67] : memref<10000x64xf32, #tpu.memory_space<vmem_shared>> -> memref<125x64xf32, #tpu.memory_space<vmem_shared>>
      tpu.enqueue_dma source(%dma_start3A_68 : memref<125x64xf32, #tpu.memory_space<vmem_shared>>) target(%arg9 : memref<125x64xf32, #tpu.memory_space<vmem>>) target_semaphore(%run_scoped3A_64 : memref<!tpu.dma_semaphore, #tpu.memory_space<semaphore_mem>>)
      %dma_wait3A = arith.constant 0 : i32
      %dma_wait3A_69 = tpu.memref_slice %arg11[%add3A_55, %dma_wait3A] : memref<10000x64xf32, #tpu.memory_space<vmem_shared>> -> memref<125x64xf32, #tpu.memory_space<vmem_shared>>
      %dma_wait3A_70 = arith.constant 0 : i32
      %dma_wait3A_71 = tpu.memref_slice %arg11[%add3A_55, %dma_wait3A_70] : memref<10000x64xf32, #tpu.memory_space<vmem_shared>> -> memref<125x64xf32, #tpu.memory_space<vmem_shared>>
      tpu.wait_dma2 semaphore(%run_scoped3A_64 : memref<!tpu.dma_semaphore, #tpu.memory_space<semaphore_mem>>) src(%dma_wait3A_71 : memref<125x64xf32, #tpu.memory_space<vmem_shared>>) dst(%arg9 : memref<125x64xf32, #tpu.memory_space<vmem>>)
      tpu.yield
    }) : () -> ()
    "tpu.region"() ({
      %run_scoped3A_64 = tpu.sem_alloc : memref<!tpu.dma_semaphore, #tpu.memory_space<semaphore_mem>>
      %dma_start3A_65 = arith.constant 0 : i32
      %dma_start3A_66 = tpu.memref_slice %arg5[%arg0, %add3A_55, %dma_start3A_65] : memref<2x10000x64xf32, #tpu.memory_space<hbm>> -> memref<1x125x64xf32, #tpu.memory_space<hbm>>
      %dma_start3A_67 = tpu.memref_squeeze %dma_start3A_66 : memref<1x125x64xf32, #tpu.memory_space<hbm>> -> memref<125x64xf32, #tpu.memory_space<hbm>>
      %dma_start3A_68 = arith.constant 0 : i32
      %dma_start3A_69 = tpu.memref_slice %arg5[%arg0, %add3A_55, %dma_start3A_68] : memref<2x10000x64xf32, #tpu.memory_space<hbm>> -> memref<1x125x64xf32, #tpu.memory_space<hbm>>
      %dma_start3A_70 = tpu.memref_squeeze %dma_start3A_69 : memref<1x125x64xf32, #tpu.memory_space<hbm>> -> memref<125x64xf32, #tpu.memory_space<hbm>>
      tpu.enqueue_dma source(%arg9 : memref<125x64xf32, #tpu.memory_space<vmem>>) target(%dma_start3A_70 : memref<125x64xf32, #tpu.memory_space<hbm>>) target_semaphore(%run_scoped3A_64 : memref<!tpu.dma_semaphore, #tpu.memory_space<semaphore_mem>>)
      %dma_wait3A = arith.constant 0 : i32
      %dma_wait3A_71 = tpu.memref_slice %arg5[%arg0, %add3A_55, %dma_wait3A] : memref<2x10000x64xf32, #tpu.memory_space<hbm>> -> memref<1x125x64xf32, #tpu.memory_space<hbm>>
      %dma_wait3A_72 = tpu.memref_squeeze %dma_wait3A_71 : memref<1x125x64xf32, #tpu.memory_space<hbm>> -> memref<125x64xf32, #tpu.memory_space<hbm>>
      %dma_wait3A_73 = arith.constant 0 : i32
      %dma_wait3A_74 = tpu.memref_slice %arg5[%arg0, %add3A_55, %dma_wait3A_73] : memref<2x10000x64xf32, #tpu.memory_space<hbm>> -> memref<1x125x64xf32, #tpu.memory_space<hbm>>
      %dma_wait3A_75 = tpu.memref_squeeze %dma_wait3A_74 : memref<1x125x64xf32, #tpu.memory_space<hbm>> -> memref<125x64xf32, #tpu.memory_space<hbm>>
      tpu.wait_dma2 semaphore(%run_scoped3A_64 : memref<!tpu.dma_semaphore, #tpu.memory_space<semaphore_mem>>) src(%arg9 : memref<125x64xf32, #tpu.memory_space<vmem>>) dst(%dma_wait3A_75 : memref<125x64xf32, #tpu.memory_space<hbm>>)
      tpu.yield
    }) : () -> ()
    %mul3A_56 = arith.constant 625 : i32
    %mul3A_57 = arith.muli %arg1, %mul3A_56 : i32
    %add3A_58 = arith.constant 375 : i32
    %add3A_59 = arith.addi %mul3A_57, %add3A_58 : i32
    "tpu.region"() ({
      %run_scoped3A_64 = tpu.sem_alloc : memref<!tpu.dma_semaphore, #tpu.memory_space<semaphore_mem>>
      %dma_start3A_65 = arith.constant 0 : i32
      %dma_start3A_66 = tpu.memref_slice %arg11[%add3A_59, %dma_start3A_65] : memref<10000x64xf32, #tpu.memory_space<vmem_shared>> -> memref<125x64xf32, #tpu.memory_space<vmem_shared>>
      %dma_start3A_67 = arith.constant 0 : i32
      %dma_start3A_68 = tpu.memref_slice %arg11[%add3A_59, %dma_start3A_67] : memref<10000x64xf32, #tpu.memory_space<vmem_shared>> -> memref<125x64xf32, #tpu.memory_space<vmem_shared>>
      tpu.enqueue_dma source(%dma_start3A_68 : memref<125x64xf32, #tpu.memory_space<vmem_shared>>) target(%arg9 : memref<125x64xf32, #tpu.memory_space<vmem>>) target_semaphore(%run_scoped3A_64 : memref<!tpu.dma_semaphore, #tpu.memory_space<semaphore_mem>>)
      %dma_wait3A = arith.constant 0 : i32
      %dma_wait3A_69 = tpu.memref_slice %arg11[%add3A_59, %dma_wait3A] : memref<10000x64xf32, #tpu.memory_space<vmem_shared>> -> memref<125x64xf32, #tpu.memory_space<vmem_shared>>
      %dma_wait3A_70 = arith.constant 0 : i32
      %dma_wait3A_71 = tpu.memref_slice %arg11[%add3A_59, %dma_wait3A_70] : memref<10000x64xf32, #tpu.memory_space<vmem_shared>> -> memref<125x64xf32, #tpu.memory_space<vmem_shared>>
      tpu.wait_dma2 semaphore(%run_scoped3A_64 : memref<!tpu.dma_semaphore, #tpu.memory_space<semaphore_mem>>) src(%dma_wait3A_71 : memref<125x64xf32, #tpu.memory_space<vmem_shared>>) dst(%arg9 : memref<125x64xf32, #tpu.memory_space<vmem>>)
      tpu.yield
    }) : () -> ()
    "tpu.region"() ({
      %run_scoped3A_64 = tpu.sem_alloc : memref<!tpu.dma_semaphore, #tpu.memory_space<semaphore_mem>>
      %dma_start3A_65 = arith.constant 0 : i32
      %dma_start3A_66 = tpu.memref_slice %arg5[%arg0, %add3A_59, %dma_start3A_65] : memref<2x10000x64xf32, #tpu.memory_space<hbm>> -> memref<1x125x64xf32, #tpu.memory_space<hbm>>
      %dma_start3A_67 = tpu.memref_squeeze %dma_start3A_66 : memref<1x125x64xf32, #tpu.memory_space<hbm>> -> memref<125x64xf32, #tpu.memory_space<hbm>>
      %dma_start3A_68 = arith.constant 0 : i32
      %dma_start3A_69 = tpu.memref_slice %arg5[%arg0, %add3A_59, %dma_start3A_68] : memref<2x10000x64xf32, #tpu.memory_space<hbm>> -> memref<1x125x64xf32, #tpu.memory_space<hbm>>
      %dma_start3A_70 = tpu.memref_squeeze %dma_start3A_69 : memref<1x125x64xf32, #tpu.memory_space<hbm>> -> memref<125x64xf32, #tpu.memory_space<hbm>>
      tpu.enqueue_dma source(%arg9 : memref<125x64xf32, #tpu.memory_space<vmem>>) target(%dma_start3A_70 : memref<125x64xf32, #tpu.memory_space<hbm>>) target_semaphore(%run_scoped3A_64 : memref<!tpu.dma_semaphore, #tpu.memory_space<semaphore_mem>>)
      %dma_wait3A = arith.constant 0 : i32
      %dma_wait3A_71 = tpu.memref_slice %arg5[%arg0, %add3A_59, %dma_wait3A] : memref<2x10000x64xf32, #tpu.memory_space<hbm>> -> memref<1x125x64xf32, #tpu.memory_space<hbm>>
      %dma_wait3A_72 = tpu.memref_squeeze %dma_wait3A_71 : memref<1x125x64xf32, #tpu.memory_space<hbm>> -> memref<125x64xf32, #tpu.memory_space<hbm>>
      %dma_wait3A_73 = arith.constant 0 : i32
      %dma_wait3A_74 = tpu.memref_slice %arg5[%arg0, %add3A_59, %dma_wait3A_73] : memref<2x10000x64xf32, #tpu.memory_space<hbm>> -> memref<1x125x64xf32, #tpu.memory_space<hbm>>
      %dma_wait3A_75 = tpu.memref_squeeze %dma_wait3A_74 : memref<1x125x64xf32, #tpu.memory_space<hbm>> -> memref<125x64xf32, #tpu.memory_space<hbm>>
      tpu.wait_dma2 semaphore(%run_scoped3A_64 : memref<!tpu.dma_semaphore, #tpu.memory_space<semaphore_mem>>) src(%arg9 : memref<125x64xf32, #tpu.memory_space<vmem>>) dst(%dma_wait3A_75 : memref<125x64xf32, #tpu.memory_space<hbm>>)
      tpu.yield
    }) : () -> ()
    %mul3A_60 = arith.constant 625 : i32
    %mul3A_61 = arith.muli %arg1, %mul3A_60 : i32
    %add3A_62 = arith.constant 500 : i32
    %add3A_63 = arith.addi %mul3A_61, %add3A_62 : i32
    "tpu.region"() ({
      %run_scoped3A_64 = tpu.sem_alloc : memref<!tpu.dma_semaphore, #tpu.memory_space<semaphore_mem>>
      %dma_start3A_65 = arith.constant 0 : i32
      %dma_start3A_66 = tpu.memref_slice %arg11[%add3A_63, %dma_start3A_65] : memref<10000x64xf32, #tpu.memory_space<vmem_shared>> -> memref<125x64xf32, #tpu.memory_space<vmem_shared>>
      %dma_start3A_67 = arith.constant 0 : i32
      %dma_start3A_68 = tpu.memref_slice %arg11[%add3A_63, %dma_start3A_67] : memref<10000x64xf32, #tpu.memory_space<vmem_shared>> -> memref<125x64xf32, #tpu.memory_space<vmem_shared>>
      tpu.enqueue_dma source(%dma_start3A_68 : memref<125x64xf32, #tpu.memory_space<vmem_shared>>) target(%arg9 : memref<125x64xf32, #tpu.memory_space<vmem>>) target_semaphore(%run_scoped3A_64 : memref<!tpu.dma_semaphore, #tpu.memory_space<semaphore_mem>>)
      %dma_wait3A = arith.constant 0 : i32
      %dma_wait3A_69 = tpu.memref_slice %arg11[%add3A_63, %dma_wait3A] : memref<10000x64xf32, #tpu.memory_space<vmem_shared>> -> memref<125x64xf32, #tpu.memory_space<vmem_shared>>
      %dma_wait3A_70 = arith.constant 0 : i32
      %dma_wait3A_71 = tpu.memref_slice %arg11[%add3A_63, %dma_wait3A_70] : memref<10000x64xf32, #tpu.memory_space<vmem_shared>> -> memref<125x64xf32, #tpu.memory_space<vmem_shared>>
      tpu.wait_dma2 semaphore(%run_scoped3A_64 : memref<!tpu.dma_semaphore, #tpu.memory_space<semaphore_mem>>) src(%dma_wait3A_71 : memref<125x64xf32, #tpu.memory_space<vmem_shared>>) dst(%arg9 : memref<125x64xf32, #tpu.memory_space<vmem>>)
      tpu.yield
    }) : () -> ()
    "tpu.region"() ({
      %run_scoped3A_64 = tpu.sem_alloc : memref<!tpu.dma_semaphore, #tpu.memory_space<semaphore_mem>>
      %dma_start3A_65 = arith.constant 0 : i32
      %dma_start3A_66 = tpu.memref_slice %arg5[%arg0, %add3A_63, %dma_start3A_65] : memref<2x10000x64xf32, #tpu.memory_space<hbm>> -> memref<1x125x64xf32, #tpu.memory_space<hbm>>
      %dma_start3A_67 = tpu.memref_squeeze %dma_start3A_66 : memref<1x125x64xf32, #tpu.memory_space<hbm>> -> memref<125x64xf32, #tpu.memory_space<hbm>>
      %dma_start3A_68 = arith.constant 0 : i32
      %dma_start3A_69 = tpu.memref_slice %arg5[%arg0, %add3A_63, %dma_start3A_68] : memref<2x10000x64xf32, #tpu.memory_space<hbm>> -> memref<1x125x64xf32, #tpu.memory_space<hbm>>
      %dma_start3A_70 = tpu.memref_squeeze %dma_start3A_69 : memref<1x125x64xf32, #tpu.memory_space<hbm>> -> memref<125x64xf32, #tpu.memory_space<hbm>>
      tpu.enqueue_dma source(%arg9 : memref<125x64xf32, #tpu.memory_space<vmem>>) target(%dma_start3A_70 : memref<125x64xf32, #tpu.memory_space<hbm>>) target_semaphore(%run_scoped3A_64 : memref<!tpu.dma_semaphore, #tpu.memory_space<semaphore_mem>>)
      %dma_wait3A = arith.constant 0 : i32
      %dma_wait3A_71 = tpu.memref_slice %arg5[%arg0, %add3A_63, %dma_wait3A] : memref<2x10000x64xf32, #tpu.memory_space<hbm>> -> memref<1x125x64xf32, #tpu.memory_space<hbm>>
      %dma_wait3A_72 = tpu.memref_squeeze %dma_wait3A_71 : memref<1x125x64xf32, #tpu.memory_space<hbm>> -> memref<125x64xf32, #tpu.memory_space<hbm>>
      %dma_wait3A_73 = arith.constant 0 : i32
      %dma_wait3A_74 = tpu.memref_slice %arg5[%arg0, %add3A_63, %dma_wait3A_73] : memref<2x10000x64xf32, #tpu.memory_space<hbm>> -> memref<1x125x64xf32, #tpu.memory_space<hbm>>
      %dma_wait3A_75 = tpu.memref_squeeze %dma_wait3A_74 : memref<1x125x64xf32, #tpu.memory_space<hbm>> -> memref<125x64xf32, #tpu.memory_space<hbm>>
      tpu.wait_dma2 semaphore(%run_scoped3A_64 : memref<!tpu.dma_semaphore, #tpu.memory_space<semaphore_mem>>) src(%arg9 : memref<125x64xf32, #tpu.memory_space<vmem>>) dst(%dma_wait3A_75 : memref<125x64xf32, #tpu.memory_space<hbm>>)
      tpu.yield
    }) : () -> ()
    return
  }
}

module attributes {stable_mosaic.version = 14 : i64} {
  func.func @_tc_matmul(%arg0: i32, %arg1: memref<2000x128xf32, #tpu.memory_space<vmem>>, %arg2: memref<128x64xf32, #tpu.memory_space<vmem>>, %arg3: memref<2000x64xf32, #tpu.memory_space<vmem>>) attributes {dimension_semantics = [#tpu.dimension_semantics<arbitrary>], iteration_bounds = array<i64: 5>, scalar_prefetch = 0 : i64, scratch_operands = 0 : i64, tpu.core_type = #tpu.core_type<tc>, window_params = [{transform_indices = @transform_0, window_bounds = array<i64: 2000, 128>}, {pipeline_mode = #tpu.pipeline_mode<synchronous>, transform_indices = @transform_1, window_bounds = array<i64: 128, 64>}, {transform_indices = @transform_2, window_bounds = array<i64: 2000, 64>}]} {
    %get3A = arith.constant 0 : index
    %get3A_0 = arith.constant 0 : index
    %get3A_1 = vector.load %arg1[%get3A, %get3A_0] : memref<2000x128xf32, #tpu.memory_space<vmem>>, vector<2000x128xf32>
    %get3A_2 = arith.constant 0 : index
    %get3A_3 = arith.constant 0 : index
    %get3A_4 = vector.load %arg2[%get3A_2, %get3A_3] : memref<128x64xf32, #tpu.memory_space<vmem>>, vector<128x64xf32>
    %dot_general3A = arith.constant dense<0.000000e+00> : vector<2000x64xf32>
    %dot_general3A_5 = tpu.matmul %get3A_1, %get3A_4, %dot_general3A {dimension_numbers = #tpu.dot_dimension_numbers<[1], [0], [0], [1], [0, 0, 1, 1], [], []>, transpose_lhs_hint = false} : vector<2000x128xf32>, vector<128x64xf32>, vector<2000x64xf32> -> vector<2000x64xf32>
    %swap3A = arith.constant 0 : index
    %swap3A_6 = arith.constant 0 : index
    %swap3A_7 = vector.load %arg3[%swap3A, %swap3A_6] : memref<2000x64xf32, #tpu.memory_space<vmem>>, vector<2000x64xf32>
    tpu.vector_store %arg3[%swap3A, %swap3A_6], %dot_general3A_5 {strides = array<i32>} : memref<2000x64xf32, #tpu.memory_space<vmem>>, vector<2000x64xf32>,
    return
  }
  func.func @transform_0(%arg0: i32) -> (i32, i32) {
    %c0_i32 = arith.constant 0 : i32
    %c0_i32_0 = arith.constant 0 : i32
    return %arg0, %c0_i32 : i32, i32
  }
  func.func @transform_1(%arg0: i32) -> (i32, i32) {
    %c0_i32 = arith.constant 0 : i32
    %c0_i32_0 = arith.constant 0 : i32
    %c0_i32_1 = arith.constant 0 : i32
    return %c0_i32, %c0_i32_0 : i32, i32
  }
  func.func @transform_2(%arg0: i32) -> (i32, i32) {
    %c0_i32 = arith.constant 0 : i32
    %c0_i32_0 = arith.constant 0 : i32
    return %arg0, %c0_i32 : i32, i32
  }
}

module attributes {stable_mosaic.version = 14 : i64} {
  func.func @_tc_scale(%arg0: i32, %arg1: memref<2000x64xf32, #tpu.memory_space<vmem>>, %arg2: memref<2x2000x16xf32, #tpu.memory_space<vmem>>, %arg3: memref<2000x64xf32, #tpu.memory_space<vmem>>) attributes {dimension_semantics = [#tpu.dimension_semantics<arbitrary>], iteration_bounds = array<i64: 5>, scalar_prefetch = 0 : i64, scratch_operands = 0 : i64, tpu.core_type = #tpu.core_type<tc>, window_params = [{transform_indices = @transform_0, window_bounds = array<i64: 2000, 64>}, {transform_indices = @transform_1, window_bounds = array<i64: 2, 2000, 16>}, {transform_indices = @transform_2, window_bounds = array<i64: 2000, 64>}]} {
    %get3A = arith.constant 0 : index
    %get3A_0 = arith.constant 0 : index
    %get3A_1 = vector.load %arg1[%get3A, %get3A_0] : memref<2000x64xf32, #tpu.memory_space<vmem>>, vector<2000x64xf32>
    %get3A_2 = arith.constant 0 : index
    %get3A_3 = arith.constant 0 : index
    %get3A_4 = arith.constant 0 : index
    %get3A_5 = vector.load %arg2[%get3A_2, %get3A_3, %get3A_4] : memref<2x2000x16xf32, #tpu.memory_space<vmem>>, vector<1x2000x1xf32>
    %get3A_6 = vector.shape_cast %get3A_5 : vector<1x2000x1xf32> to vector<2000x1xf32>
    %get3A_7 = arith.constant 1 : index
    %get3A_8 = arith.constant 0 : index
    %get3A_9 = arith.constant 0 : index
    %get3A_10 = vector.load %arg2[%get3A_7, %get3A_8, %get3A_9] : memref<2x2000x16xf32, #tpu.memory_space<vmem>>, vector<1x2000x1xf32>
    %get3A_11 = vector.shape_cast %get3A_10 : vector<1x2000x1xf32> to vector<2000x1xf32>
    %add3A = arith.addf %get3A_6, %get3A_11 : vector<2000x1xf32>
    %add3A_12 = arith.constant 1.000000e+00 : f32
    %add3A_13 = vector.broadcast %add3A_12 : f32 to vector<2000x1xf32>
    %add3A_14 = arith.addf %add3A, %add3A_13 : vector<2000x1xf32>
    %rsqrt3A = math.rsqrt %add3A_14 : vector<2000x1xf32>
    %mul3A = vector.broadcast %rsqrt3A : vector<2000x1xf32> to vector<2000x64xf32>
    %mul3A_15 = arith.mulf %get3A_1, %mul3A : vector<2000x64xf32>
    %swap3A = arith.constant 0 : index
    %swap3A_16 = arith.constant 0 : index
    %swap3A_17 = vector.load %arg3[%swap3A, %swap3A_16] : memref<2000x64xf32, #tpu.memory_space<vmem>>, vector<2000x64xf32>
    tpu.vector_store %arg3[%swap3A, %swap3A_16], %mul3A_15 {strides = array<i32>} : memref<2000x64xf32, #tpu.memory_space<vmem>>, vector<2000x64xf32>,
    return
  }
  func.func @transform_0(%arg0: i32) -> (i32, i32) {
    %c0_i32 = arith.constant 0 : i32
    %c0_i32_0 = arith.constant 0 : i32
    return %arg0, %c0_i32 : i32, i32
  }
  func.func @transform_1(%arg0: i32) -> (i32, i32, i32) {
    %c0_i32 = arith.constant 0 : i32
    %c0_i32_0 = arith.constant 0 : i32
    %c0_i32_1 = arith.constant 0 : i32
    return %c0_i32, %arg0, %c0_i32_0 : i32, i32, i32
  }
  func.func @transform_2(%arg0: i32) -> (i32, i32) {
    %c0_i32 = arith.constant 0 : i32
    %c0_i32_0 = arith.constant 0 : i32
    return %arg0, %c0_i32 : i32, i32
  }
}

module attributes {stable_mosaic.version = 14 : i64} {
  func.func @_tc_mid(%arg0: i32, %arg1: memref<2x2000x64xf32, #tpu.memory_space<vmem>>, %arg2: memref<2000x64xf32, #tpu.memory_space<vmem>>, %arg3: memref<2x2000x16xf32, #tpu.memory_space<vmem>>, %arg4: memref<64x64xf32, #tpu.memory_space<vmem>>, %arg5: memref<1x64xf32, #tpu.memory_space<vmem>>, %arg6: memref<2000x64xf32, #tpu.memory_space<vmem>>) attributes {dimension_semantics = [#tpu.dimension_semantics<arbitrary>], iteration_bounds = array<i64: 5>, scalar_prefetch = 0 : i64, scratch_operands = 0 : i64, tpu.core_type = #tpu.core_type<tc>, window_params = [{transform_indices = @transform_0, window_bounds = array<i64: 2, 2000, 64>}, {transform_indices = @transform_1, window_bounds = array<i64: 2000, 64>}, {transform_indices = @transform_2, window_bounds = array<i64: 2, 2000, 16>}, {pipeline_mode = #tpu.pipeline_mode<synchronous>, transform_indices = @transform_3, window_bounds = array<i64: 64, 64>}, {pipeline_mode = #tpu.pipeline_mode<synchronous>, transform_indices = @transform_4, window_bounds = array<i64: 1, 64>}, {transform_indices = @transform_5, window_bounds = array<i64: 2000, 64>}]} {
    %get3A = arith.constant 0 : index
    %get3A_0 = arith.constant 0 : index
    %get3A_1 = arith.constant 0 : index
    %get3A_2 = vector.load %arg3[%get3A, %get3A_0, %get3A_1] : memref<2x2000x16xf32, #tpu.memory_space<vmem>>, vector<1x2000x1xf32>
    %get3A_3 = vector.shape_cast %get3A_2 : vector<1x2000x1xf32> to vector<2000x1xf32>
    %get3A_4 = arith.constant 1 : index
    %get3A_5 = arith.constant 0 : index
    %get3A_6 = arith.constant 0 : index
    %get3A_7 = vector.load %arg3[%get3A_4, %get3A_5, %get3A_6] : memref<2x2000x16xf32, #tpu.memory_space<vmem>>, vector<1x2000x1xf32>
    %get3A_8 = vector.shape_cast %get3A_7 : vector<1x2000x1xf32> to vector<2000x1xf32>
    %add3A = arith.addf %get3A_3, %get3A_8 : vector<2000x1xf32>
    %add3A_9 = arith.constant 1.000000e+00 : f32
    %add3A_10 = vector.broadcast %add3A_9 : f32 to vector<2000x1xf32>
    %add3A_11 = arith.addf %add3A, %add3A_10 : vector<2000x1xf32>
    %rsqrt3A = math.rsqrt %add3A_11 : vector<2000x1xf32>
    %get3A_12 = arith.constant 0 : index
    %get3A_13 = arith.constant 0 : index
    %get3A_14 = arith.constant 0 : index
    %get3A_15 = vector.load %arg1[%get3A_12, %get3A_13, %get3A_14] : memref<2x2000x64xf32, #tpu.memory_space<vmem>>, vector<1x2000x64xf32>
    %get3A_16 = vector.shape_cast %get3A_15 : vector<1x2000x64xf32> to vector<2000x64xf32>
    %get3A_17 = arith.constant 1 : index
    %get3A_18 = arith.constant 0 : index
    %get3A_19 = arith.constant 0 : index
    %get3A_20 = vector.load %arg1[%get3A_17, %get3A_18, %get3A_19] : memref<2x2000x64xf32, #tpu.memory_space<vmem>>, vector<1x2000x64xf32>
    %get3A_21 = vector.shape_cast %get3A_20 : vector<1x2000x64xf32> to vector<2000x64xf32>
    %add3A_22 = arith.addf %get3A_16, %get3A_21 : vector<2000x64xf32>
    %get3A_23 = arith.constant 0 : index
    %get3A_24 = arith.constant 0 : index
    %get3A_25 = vector.load %arg2[%get3A_23, %get3A_24] : memref<2000x64xf32, #tpu.memory_space<vmem>>, vector<2000x64xf32>
    %add3A_26 = arith.addf %add3A_22, %get3A_25 : vector<2000x64xf32>
    %mul3A = vector.broadcast %rsqrt3A : vector<2000x1xf32> to vector<2000x64xf32>
    %mul3A_27 = arith.mulf %mul3A, %add3A_26 : vector<2000x64xf32>
    %get3A_28 = arith.constant 0 : index
    %get3A_29 = arith.constant 0 : index
    %get3A_30 = vector.load %arg5[%get3A_28, %get3A_29] : memref<1x64xf32, #tpu.memory_space<vmem>>, vector<1x64xf32>
    %add3A_31 = vector.broadcast %get3A_30 : vector<1x64xf32> to vector<2000x64xf32>
    %add3A_32 = arith.addf %mul3A_27, %add3A_31 : vector<2000x64xf32>
    %max3A = arith.constant 0.000000e+00 : f32
    %max3A_33 = vector.broadcast %max3A : f32 to vector<2000x64xf32>
    %max3A_34 = arith.maximumf %add3A_32, %max3A_33 : vector<2000x64xf32>
    %get3A_35 = arith.constant 0 : index
    %get3A_36 = arith.constant 0 : index
    %get3A_37 = vector.load %arg4[%get3A_35, %get3A_36] : memref<64x64xf32, #tpu.memory_space<vmem>>, vector<64x64xf32>
    %dot_general3A = arith.constant dense<0.000000e+00> : vector<2000x64xf32>
    %dot_general3A_38 = tpu.matmul %max3A_34, %get3A_37, %dot_general3A {dimension_numbers = #tpu.dot_dimension_numbers<[1], [0], [0], [1], [0, 0, 1, 1], [], []>, transpose_lhs_hint = false} : vector<2000x64xf32>, vector<64x64xf32>, vector<2000x64xf32> -> vector<2000x64xf32>
    %mul3A_39 = vector.broadcast %rsqrt3A : vector<2000x1xf32> to vector<2000x64xf32>
    %mul3A_40 = arith.mulf %dot_general3A_38, %mul3A_39 : vector<2000x64xf32>
    %swap3A = arith.constant 0 : index
    %swap3A_41 = arith.constant 0 : index
    %swap3A_42 = vector.load %arg6[%swap3A, %swap3A_41] : memref<2000x64xf32, #tpu.memory_space<vmem>>, vector<2000x64xf32>
    tpu.vector_store %arg6[%swap3A, %swap3A_41], %mul3A_40 {strides = array<i32>} : memref<2000x64xf32, #tpu.memory_space<vmem>>, vector<2000x64xf32>,
    return
  }
  func.func @transform_0(%arg0: i32) -> (i32, i32, i32) {
    %c0_i32 = arith.constant 0 : i32
    %c0_i32_0 = arith.constant 0 : i32
    %c0_i32_1 = arith.constant 0 : i32
    return %c0_i32, %arg0, %c0_i32_0 : i32, i32, i32
  }
  func.func @transform_1(%arg0: i32) -> (i32, i32) {
    %c0_i32 = arith.constant 0 : i32
    %c0_i32_0 = arith.constant 0 : i32
    return %arg0, %c0_i32 : i32, i32
  }
  func.func @transform_2(%arg0: i32) -> (i32, i32, i32) {
    %c0_i32 = arith.constant 0 : i32
    %c0_i32_0 = arith.constant 0 : i32
    %c0_i32_1 = arith.constant 0 : i32
    return %c0_i32, %arg0, %c0_i32_0 : i32, i32, i32
  }
  func.func @transform_3(%arg0: i32) -> (i32, i32) {
    %c0_i32 = arith.constant 0 : i32
    %c0_i32_0 = arith.constant 0 : i32
    %c0_i32_1 = arith.constant 0 : i32
    return %c0_i32, %c0_i32_0 : i32, i32
  }
  func.func @transform_4(%arg0: i32) -> (i32, i32) {
    %c0_i32 = arith.constant 0 : i32
    %c0_i32_0 = arith.constant 0 : i32
    %c0_i32_1 = arith.constant 0 : i32
    return %c0_i32, %c0_i32_0 : i32, i32
  }
  func.func @transform_5(%arg0: i32) -> (i32, i32) {
    %c0_i32 = arith.constant 0 : i32
    %c0_i32_0 = arith.constant 0 : i32
    return %arg0, %c0_i32 : i32, i32
  }
}

module attributes {stable_mosaic.version = 14 : i64} {
  func.func @_tc_head(%arg0: i32, %arg1: memref<2x2000x64xf32, #tpu.memory_space<vmem>>, %arg2: memref<2000x64xf32, #tpu.memory_space<vmem>>, %arg3: memref<2x2000x16xf32, #tpu.memory_space<vmem>>, %arg4: memref<1x64xf32, #tpu.memory_space<vmem>>, %arg5: memref<64x6xf32, #tpu.memory_space<vmem>>, %arg6: memref<1x6xf32, #tpu.memory_space<vmem>>, %arg7: memref<64x6xf32, #tpu.memory_space<vmem>>, %arg8: memref<1x6xf32, #tpu.memory_space<vmem>>, %arg9: memref<2000x6xf32, #tpu.memory_space<vmem>>, %arg10: memref<2000x6xf32, #tpu.memory_space<vmem>>) attributes {dimension_semantics = [#tpu.dimension_semantics<arbitrary>], iteration_bounds = array<i64: 5>, scalar_prefetch = 0 : i64, scratch_operands = 0 : i64, tpu.core_type = #tpu.core_type<tc>, window_params = [{transform_indices = @transform_0, window_bounds = array<i64: 2, 2000, 64>}, {transform_indices = @transform_1, window_bounds = array<i64: 2000, 64>}, {transform_indices = @transform_2, window_bounds = array<i64: 2, 2000, 16>}, {pipeline_mode = #tpu.pipeline_mode<synchronous>, transform_indices = @transform_3, window_bounds = array<i64: 1, 64>}, {pipeline_mode = #tpu.pipeline_mode<synchronous>, transform_indices = @transform_4, window_bounds = array<i64: 64, 6>}, {pipeline_mode = #tpu.pipeline_mode<synchronous>, transform_indices = @transform_5, window_bounds = array<i64: 1, 6>}, {pipeline_mode = #tpu.pipeline_mode<synchronous>, transform_indices = @transform_6, window_bounds = array<i64: 64, 6>}, {pipeline_mode = #tpu.pipeline_mode<synchronous>, transform_indices = @transform_7, window_bounds = array<i64: 1, 6>}, {transform_indices = @transform_8, window_bounds = array<i64: 2000, 6>}, {transform_indices = @transform_9, window_bounds = array<i64: 2000, 6>}]} {
    %get3A = arith.constant 0 : index
    %get3A_0 = arith.constant 0 : index
    %get3A_1 = arith.constant 0 : index
    %get3A_2 = vector.load %arg3[%get3A, %get3A_0, %get3A_1] : memref<2x2000x16xf32, #tpu.memory_space<vmem>>, vector<1x2000x1xf32>
    %get3A_3 = vector.shape_cast %get3A_2 : vector<1x2000x1xf32> to vector<2000x1xf32>
    %get3A_4 = arith.constant 1 : index
    %get3A_5 = arith.constant 0 : index
    %get3A_6 = arith.constant 0 : index
    %get3A_7 = vector.load %arg3[%get3A_4, %get3A_5, %get3A_6] : memref<2x2000x16xf32, #tpu.memory_space<vmem>>, vector<1x2000x1xf32>
    %get3A_8 = vector.shape_cast %get3A_7 : vector<1x2000x1xf32> to vector<2000x1xf32>
    %add3A = arith.addf %get3A_3, %get3A_8 : vector<2000x1xf32>
    %add3A_9 = arith.constant 1.000000e+00 : f32
    %add3A_10 = vector.broadcast %add3A_9 : f32 to vector<2000x1xf32>
    %add3A_11 = arith.addf %add3A, %add3A_10 : vector<2000x1xf32>
    %rsqrt3A = math.rsqrt %add3A_11 : vector<2000x1xf32>
    %get3A_12 = arith.constant 0 : index
    %get3A_13 = arith.constant 0 : index
    %get3A_14 = arith.constant 0 : index
    %get3A_15 = vector.load %arg1[%get3A_12, %get3A_13, %get3A_14] : memref<2x2000x64xf32, #tpu.memory_space<vmem>>, vector<1x2000x64xf32>
    %get3A_16 = vector.shape_cast %get3A_15 : vector<1x2000x64xf32> to vector<2000x64xf32>
    %get3A_17 = arith.constant 1 : index
    %get3A_18 = arith.constant 0 : index
    %get3A_19 = arith.constant 0 : index
    %get3A_20 = vector.load %arg1[%get3A_17, %get3A_18, %get3A_19] : memref<2x2000x64xf32, #tpu.memory_space<vmem>>, vector<1x2000x64xf32>
    %get3A_21 = vector.shape_cast %get3A_20 : vector<1x2000x64xf32> to vector<2000x64xf32>
    %add3A_22 = arith.addf %get3A_16, %get3A_21 : vector<2000x64xf32>
    %get3A_23 = arith.constant 0 : index
    %get3A_24 = arith.constant 0 : index
    %get3A_25 = vector.load %arg2[%get3A_23, %get3A_24] : memref<2000x64xf32, #tpu.memory_space<vmem>>, vector<2000x64xf32>
    %add3A_26 = arith.addf %add3A_22, %get3A_25 : vector<2000x64xf32>
    %mul3A = vector.broadcast %rsqrt3A : vector<2000x1xf32> to vector<2000x64xf32>
    %mul3A_27 = arith.mulf %mul3A, %add3A_26 : vector<2000x64xf32>
    %get3A_28 = arith.constant 0 : index
    %get3A_29 = arith.constant 0 : index
    %get3A_30 = vector.load %arg4[%get3A_28, %get3A_29] : memref<1x64xf32, #tpu.memory_space<vmem>>, vector<1x64xf32>
    %add3A_31 = vector.broadcast %get3A_30 : vector<1x64xf32> to vector<2000x64xf32>
    %add3A_32 = arith.addf %mul3A_27, %add3A_31 : vector<2000x64xf32>
    %max3A = arith.constant 0.000000e+00 : f32
    %max3A_33 = vector.broadcast %max3A : f32 to vector<2000x64xf32>
    %max3A_34 = arith.maximumf %add3A_32, %max3A_33 : vector<2000x64xf32>
    %get3A_35 = arith.constant 0 : index
    %get3A_36 = arith.constant 0 : index
    %get3A_37 = vector.load %arg5[%get3A_35, %get3A_36] : memref<64x6xf32, #tpu.memory_space<vmem>>, vector<64x6xf32>
    %dot_general3A = arith.constant dense<0.000000e+00> : vector<2000x6xf32>
    %dot_general3A_38 = tpu.matmul %max3A_34, %get3A_37, %dot_general3A {dimension_numbers = #tpu.dot_dimension_numbers<[1], [0], [0], [1], [0, 0, 1, 1], [], []>, transpose_lhs_hint = false} : vector<2000x64xf32>, vector<64x6xf32>, vector<2000x6xf32> -> vector<2000x6xf32>
    %get3A_39 = arith.constant 0 : index
    %get3A_40 = arith.constant 0 : index
    %get3A_41 = vector.load %arg6[%get3A_39, %get3A_40] : memref<1x6xf32, #tpu.memory_space<vmem>>, vector<1x6xf32>
    %add3A_42 = vector.broadcast %get3A_41 : vector<1x6xf32> to vector<2000x6xf32>
    %add3A_43 = arith.addf %dot_general3A_38, %add3A_42 : vector<2000x6xf32>
    %reduce_max3A = arith.constant dense<0xFF800000> : vector<2000xf32>
    %reduce_max3A_44 = vector.multi_reduction <maximumf>, %add3A_43, %reduce_max3A [1] : vector<2000x6xf32> to vector<2000xf32>
    %broadcast_in_dim3A = vector.shape_cast %reduce_max3A_44 : vector<2000xf32> to vector<2000x1xf32>
    %sub3A = vector.broadcast %broadcast_in_dim3A : vector<2000x1xf32> to vector<2000x6xf32>
    %sub3A_45 = arith.subf %add3A_43, %sub3A : vector<2000x6xf32>
    %exp3A = math.exp %sub3A_45 : vector<2000x6xf32>
    %reduce_sum3A = arith.constant dense<0.000000e+00> : vector<2000xf32>
    %reduce_sum3A_46 = vector.multi_reduction <add>, %exp3A, %reduce_sum3A [1] : vector<2000x6xf32> to vector<2000xf32>
    %broadcast_in_dim3A_47 = vector.shape_cast %reduce_sum3A_46 : vector<2000xf32> to vector<2000x1xf32>
    %log3A = math.log %broadcast_in_dim3A_47 : vector<2000x1xf32>
    %sub3A_48 = vector.broadcast %log3A : vector<2000x1xf32> to vector<2000x6xf32>
    %sub3A_49 = arith.subf %sub3A_45, %sub3A_48 : vector<2000x6xf32>
    %swap3A = arith.constant 0 : index
    %swap3A_50 = arith.constant 0 : index
    %swap3A_51 = vector.load %arg9[%swap3A, %swap3A_50] : memref<2000x6xf32, #tpu.memory_space<vmem>>, vector<2000x6xf32>
    tpu.vector_store %arg9[%swap3A, %swap3A_50], %sub3A_49 {strides = array<i32>} : memref<2000x6xf32, #tpu.memory_space<vmem>>, vector<2000x6xf32>,
    %get3A_52 = arith.constant 0 : index
    %get3A_53 = arith.constant 0 : index
    %get3A_54 = vector.load %arg7[%get3A_52, %get3A_53] : memref<64x6xf32, #tpu.memory_space<vmem>>, vector<64x6xf32>
    %dot_general3A_55 = arith.constant dense<0.000000e+00> : vector<2000x6xf32>
    %dot_general3A_56 = tpu.matmul %max3A_34, %get3A_54, %dot_general3A_55 {dimension_numbers = #tpu.dot_dimension_numbers<[1], [0], [0], [1], [0, 0, 1, 1], [], []>, transpose_lhs_hint = false} : vector<2000x64xf32>, vector<64x6xf32>, vector<2000x6xf32> -> vector<2000x6xf32>
    %get3A_57 = arith.constant 0 : index
    %get3A_58 = arith.constant 0 : index
    %get3A_59 = vector.load %arg8[%get3A_57, %get3A_58] : memref<1x6xf32, #tpu.memory_space<vmem>>, vector<1x6xf32>
    %add3A_60 = vector.broadcast %get3A_59 : vector<1x6xf32> to vector<2000x6xf32>
    %add3A_61 = arith.addf %dot_general3A_56, %add3A_60 : vector<2000x6xf32>
    %reduce_max3A_62 = arith.constant dense<0xFF800000> : vector<2000xf32>
    %reduce_max3A_63 = vector.multi_reduction <maximumf>, %add3A_61, %reduce_max3A_62 [1] : vector<2000x6xf32> to vector<2000xf32>
    %broadcast_in_dim3A_64 = vector.shape_cast %reduce_max3A_63 : vector<2000xf32> to vector<2000x1xf32>
    %sub3A_65 = vector.broadcast %broadcast_in_dim3A_64 : vector<2000x1xf32> to vector<2000x6xf32>
    %sub3A_66 = arith.subf %add3A_61, %sub3A_65 : vector<2000x6xf32>
    %exp3A_67 = math.exp %sub3A_66 : vector<2000x6xf32>
    %reduce_sum3A_68 = arith.constant dense<0.000000e+00> : vector<2000xf32>
    %reduce_sum3A_69 = vector.multi_reduction <add>, %exp3A_67, %reduce_sum3A_68 [1] : vector<2000x6xf32> to vector<2000xf32>
    %broadcast_in_dim3A_70 = vector.shape_cast %reduce_sum3A_69 : vector<2000xf32> to vector<2000x1xf32>
    %log3A_71 = math.log %broadcast_in_dim3A_70 : vector<2000x1xf32>
    %sub3A_72 = vector.broadcast %log3A_71 : vector<2000x1xf32> to vector<2000x6xf32>
    %sub3A_73 = arith.subf %sub3A_66, %sub3A_72 : vector<2000x6xf32>
    %swap3A_74 = arith.constant 0 : index
    %swap3A_75 = arith.constant 0 : index
    %swap3A_76 = vector.load %arg10[%swap3A_74, %swap3A_75] : memref<2000x6xf32, #tpu.memory_space<vmem>>, vector<2000x6xf32>
    tpu.vector_store %arg10[%swap3A_74, %swap3A_75], %sub3A_73 {strides = array<i32>} : memref<2000x6xf32, #tpu.memory_space<vmem>>, vector<2000x6xf32>,
    return
  }
  func.func @transform_0(%arg0: i32) -> (i32, i32, i32) {
    %c0_i32 = arith.constant 0 : i32
    %c0_i32_0 = arith.constant 0 : i32
    %c0_i32_1 = arith.constant 0 : i32
    return %c0_i32, %arg0, %c0_i32_0 : i32, i32, i32
  }
  func.func @transform_1(%arg0: i32) -> (i32, i32) {
    %c0_i32 = arith.constant 0 : i32
    %c0_i32_0 = arith.constant 0 : i32
    return %arg0, %c0_i32 : i32, i32
  }
  func.func @transform_2(%arg0: i32) -> (i32, i32, i32) {
    %c0_i32 = arith.constant 0 : i32
    %c0_i32_0 = arith.constant 0 : i32
    %c0_i32_1 = arith.constant 0 : i32
    return %c0_i32, %arg0, %c0_i32_0 : i32, i32, i32
  }
  func.func @transform_3(%arg0: i32) -> (i32, i32) {
    %c0_i32 = arith.constant 0 : i32
    %c0_i32_0 = arith.constant 0 : i32
    %c0_i32_1 = arith.constant 0 : i32
    return %c0_i32, %c0_i32_0 : i32, i32
  }
  func.func @transform_4(%arg0: i32) -> (i32, i32) {
    %c0_i32 = arith.constant 0 : i32
    %c0_i32_0 = arith.constant 0 : i32
    %c0_i32_1 = arith.constant 0 : i32
    return %c0_i32, %c0_i32_0 : i32, i32
  }
  func.func @transform_5(%arg0: i32) -> (i32, i32) {
    %c0_i32 = arith.constant 0 : i32
    %c0_i32_0 = arith.constant 0 : i32
    %c0_i32_1 = arith.constant 0 : i32
    return %c0_i32, %c0_i32_0 : i32, i32
  }
  func.func @transform_6(%arg0: i32) -> (i32, i32) {
    %c0_i32 = arith.constant 0 : i32
    %c0_i32_0 = arith.constant 0 : i32
    %c0_i32_1 = arith.constant 0 : i32
    return %c0_i32, %c0_i32_0 : i32, i32
  }
  func.func @transform_7(%arg0: i32) -> (i32, i32) {
    %c0_i32 = arith.constant 0 : i32
    %c0_i32_0 = arith.constant 0 : i32
    %c0_i32_1 = arith.constant 0 : i32
    return %c0_i32, %c0_i32_0 : i32, i32
  }
  func.func @transform_8(%arg0: i32) -> (i32, i32) {
    %c0_i32 = arith.constant 0 : i32
    %c0_i32_0 = arith.constant 0 : i32
    return %arg0, %c0_i32 : i32, i32
  }
  func.func @transform_9(%arg0: i32) -> (i32, i32) {
    %c0_i32 = arith.constant 0 : i32
    %c0_i32_0 = arith.constant 0 : i32
    return %arg0, %c0_i32 : i32, i32
  }
}

</mosaic_0001>

<sc_bundles>
// kernel: kernel.12.cloned.1.call-start
scs
__scs_entry_jumppad:
0x0: {  	(pc) =	sbr.rel $0x88, $3  }
0x1: {  	(tag) =	ssettag $0x0;
	lr =	simm.s32 $0x1  }
0x2: {  	[smem:$0x3F98] =	sst lr;
	_ =	strace $0xD0000000  }
0x3: {  	_ = 	snop  }
0x4: {  	_ = 	snop  }
0x5: {  	_ = 	snop  }
0x6: {  	_ = 	snop  }
0x7: {  	_ = 	snop  }
__scs_overlays_trampoline_lowered:
0x8: {  	[smem:$0x3FA7] =	sst s0  }
0x9: {  	[smem:$0x3FA8] =	sst s1  }
0xa: {  	[smem:$0x3FA9] =	sst s2  }
0xb: {  	[smem:$0x3FAA] =	sst s3  }
0xc: {  	[smem:$0x3FAB] =	sst s4  }
0xd: {  	[smem:$0x3FAC] =	sst s5  }
0xe: {  	[smem:$0x3FAD] =	sst s6  }
0xf: {  	[smem:$0x3FAE] =	sst s7  }
0x10: {  	[smem:$0x3FAF] =	sst s8  }
0x11: {  	[smem:$0x3FB0] =	sst s9;
	s0 =	simm.s32 @!p0 $0x0  }
0x12: {  	s1 =	sld [smem:$0x3F96];
	s0 =	simm.s32 @p0 $0x1  }
0x13: {  	[smem:$0x3FB1] =	sst s0;
	s0 =	simm.s32 @!p1 $0x0  }
0x14: {  	s2 =	sld [smem:$0x3F95];
	s0 =	simm.s32 @p1 $0x1  }
0x15: {  	[smem:$0x3FB2] =	sst s0;
	s0 =	simm.s32 @!p2 $0x0  }
0x16: {  	s3 =	sld [smem:$0x3FDB];
	s0 =	simm.s32 @p2 $0x1  }
0x17: {  	s4 =	simm.s32 $0x1BF5;
	[smem:$0x3FB4] =	sst s0  }
0x18: {  	s0 =	sld [smem:$0x3F97];
	_ =	swait.ge [sflag:s4], $0x0  }
0x19: {  	s7 =	sld [smem:$0x3F98]  }
0x1a: {  	s8 =	sadd.s32 $0xFFFFE003, lr  }
0x1b: {  	s9 =	sadd.s32 $0xFFFFFEF7, lr;
	s5 =	simm.s32 $0xFFFFFFFF;
	p2 =	slt.u32 s8, $0xFFFFF086  }
0x1c: {  	p1 =	slt.u32 s9, $0xF7A;
	s5 =	simm.s32 @!p2 $0x0  }
0x1d: {  	s5 =	simm.s32 @p1 $0x1;
	p0 =	seq.s32 s7, s2  }
0x1e: {  	s7 =	smul.u32 @!p0 $0xF7A, s2;
	p2 =	seq.s32 @!p0 s5, $0x0  }
0x1f: {  	s9 =	smul.u32 $0xF7A, s1;
	s8 =	simm.s32 @!p0 $0x1BF5;
	p2 =	por !p2, p0  }
0x20: {  	[sflag:s8] =	ssyncset.s32 @!p0 $0xFFFFF086;
	s6 =	sadd.s32 @!p0 s3, s7;
	s7 =	simm.s32 @!p0 $0x108  }
0x21: {  	s3 =	sadd.s32 s3, s9;
	s6 =	sadd.s32 @!p0 $0x88, s6;
	s7 =	simm.s32 @p2 $0x1082  }
0x22: {  	[simem:s7], [sflag:s8] =	dma.local @!p0 [hbm:s6], $0xF7A  }
0x23: {  	s9 =	sor.u32 $0xD0000000, s2;
	s6 =	simm.s32 $0x108;
	_ =	swait.ge @!p0 [sflag:s8], $0x0  }
0x24: {  	s3 =	sadd.s32 $0x88, s3;
	s6 =	simm.s32 @!p1 $0x1082;
	[sflag:s4] =	ssyncset.s32 $0xFFFFF086  }
0x25: {  	[simem:s6], [sflag:s4] =	dma.local [hbm:s3], $0xF7A  }
0x26: {  	[smem:$0x3F98] =	sst s1;
	(tag) =	ssettag s2;
	_ =	strace s9  }
0x27: {  	s1 =	sld [smem:$0x3FA8]  }
0x28: {  	s2 =	sld [smem:$0x3FA9]  }
0x29: {  	s4 =	sld [smem:$0x3FAB]  }
0x2a: {  	p0 =	seq.s32 s5, $0x0;
	s5 =	sld [smem:$0x3FAC]  }
0x2b: {  	s6 =	sld [smem:$0x3FAD]  }
0x2c: {  	s7 =	sld [smem:$0x3FAE]  }
0x2d: {  	s3 =	simm.s32 $0x108;
	s8 =	sld [smem:$0x3FAF]  }
0x2e: {  	s3 =	simm.s32 @!p0 $0x1082;
	s9 =	sld [smem:$0x3FB0]  }
0x2f: {  	lr =	sadd.s32 s0, s3;
	s0 =	sld [smem:$0x3FA7]  }
0x30: {  	s3 =	sld [smem:$0x3FAA]  }
0x31: {  	[smem:$0x3FB3] =	sst s10  }
0x32: {  	s10 =	sld [smem:$0x3FB1];
	_ =	sdelay $0x3  }
0x33: {  	p0 =	seq.s32 s10, $0x1;
	s10 =	sld [smem:$0x3FB3];
	_ =	sdelay $0x3  }
0x34: {  	[smem:$0x3FB3] =	sst s10  }
0x35: {  	s10 =	sld [smem:$0x3FB2];
	_ =	sdelay $0x3  }
0x36: {  	p1 =	seq.s32 s10, $0x1;
	s10 =	sld [smem:$0x3FB3];
	_ =	sdelay $0x3  }
0x37: {  	[smem:$0x3FB3] =	sst s10  }
0x38: {  	s10 =	sld [smem:$0x3FB4]  }
0x39: {  	_ = 	snop;
	(pc) =	sbr.ind lr, $3  }
0x3a: {  	_ = 	snop  }
0x3b: {  	_ = 	snop  }
0x3c: {  	p2 =	seq.s32 s10, $0x1;
	s10 =	sld [smem:$0x3FB3]  }
0x3d: {  	_ =	shalt  }
0x3e: {  	_ =	shalt  }
0x3f: {  	_ =	shalt  }
0x40: {  	_ =	shalt  }
0x41: {  	_ =	shalt  }
0x42: {  	_ =	shalt  }
0x43: {  	_ =	shalt  }
0x44: {  	_ =	shalt  }
0x45: {  	_ =	shalt  }
0x46: {  	_ =	shalt  }
0x47: {  	_ =	shalt  }
0x48: {  	_ =	shalt  }
0x49: {  	_ =	shalt  }
0x4a: {  	_ =	shalt  }
0x4b: {  	_ =	shalt  }
0x4c: {  	_ =	shalt  }
0x4d: {  	_ =	shalt  }
0x4e: {  	_ =	shalt  }
0x4f: {  	_ =	shalt  }
0x50: {  	_ =	shalt  }
0x51: {  	_ =	shalt  }
0x52: {  	_ =	shalt  }
0x53: {  	_ =	shalt  }
0x54: {  	_ =	shalt  }
0x55: {  	_ =	shalt  }
0x56: {  	_ =	shalt  }
0x57: {  	_ =	shalt  }
0x58: {  	_ =	shalt  }
0x59: {  	_ =	shalt  }
0x5a: {  	_ =	shalt  }
0x5b: {  	_ =	shalt  }
0x5c: {  	_ =	shalt  }
0x5d: {  	_ =	shalt  }
0x5e: {  	_ =	shalt  }
0x5f: {  	_ =	shalt  }
0x60: {  	_ =	shalt  }
0x61: {  	_ =	shalt  }
0x62: {  	_ =	shalt  }
0x63: {  	_ =	shalt  }
0x64: {  	_ =	shalt  }
0x65: {  	_ =	shalt  }
0x66: {  	_ =	shalt  }
0x67: {  	_ =	shalt  }
0x68: {  	_ =	shalt  }
0x69: {  	_ =	shalt  }
0x6a: {  	_ =	shalt  }
0x6b: {  	_ =	shalt  }
0x6c: {  	_ =	shalt  }
0x6d: {  	_ =	shalt  }
0x6e: {  	_ =	shalt  }
0x6f: {  	_ =	shalt  }
0x70: {  	_ =	shalt  }
0x71: {  	_ =	shalt  }
0x72: {  	_ =	shalt  }
0x73: {  	_ =	shalt  }
0x74: {  	_ =	shalt  }
0x75: {  	_ =	shalt  }
0x76: {  	_ =	shalt  }
0x77: {  	_ =	shalt  }
0x78: {  	_ =	shalt  }
0x79: {  	_ =	shalt  }
0x7a: {  	_ =	shalt  }
0x7b: {  	_ =	shalt  }
0x7c: {  	_ =	shalt  }
0x7d: {  	_ =	shalt  }
0x7e: {  	_ =	shalt  }
0x7f: {  	_ =	shalt  }
0x80: {  	_ =	shalt  }
0x81: {  	_ =	shalt  }
0x82: {  	_ =	shalt  }
0x83: {  	_ =	shalt  }
0x84: {  	_ =	shalt  }
0x85: {  	_ =	shalt  }
0x86: {  	_ =	shalt  }
0x87: {  	_ =	shalt  }
.Lfunc_end0:
.L_simem_size_0:
called_computation.1_lowered:
.L_overlay_start_0:
0x88: {  	s2 =	sld [smem:$0x3FD9]  }
0x89: {  	s3 =	sld [smem:$0x3FFE];
	_ =	sdelay $0x1  }
0x8a: {  	s1 =	srdreg.scid  }
0x8b: {  	s0 =	sand.u32 $0x1, s1  }
0x8c: {  	s14 =	sshll.u32 s0, $0xA;
	s2 =	sadd.s32 s3, s2  }
0x8d: {  	s2 =	sadd.s32 s2, s14  }
0x8e: {  	[smem:$0x3FBF] =	sst s2  }
0x8f: {  	_ = 	snop  }
0x90: {  	s2 =	sld [smem:$0x3FD0];
	_ =	sdelay $0x2  }
0x91: {  	s15 =	simm.s32 $0xA;
	s4 =	simm.s32 $0x10  }
0x92: {  	[smem:s4], [sflag:s15] =	dma.local [hbm:s2], $0x1  }
0x93: {  	_ =	swait.eq [sflag:s15], $0x1  }
0x94: {  	[sflag:s15] =	ssyncset.done $0x0  }
0x95: {  	[sflag:s15] =	ssyncadd.s32 $0xFFFFFFFF  }
0x96: {  	s16 =	sld [smem:$0x11];
	(tm) =	ssettm $0x1  }
0x97: {  	s17 =	sld [smem:$0x3FFB];
	_ =	sdelay $0x3  }
0x98: {  	_ =	strace s17  }
0x99: {  	s3 =	sld [smem:$0x3FFC];
	_ =	sdelay $0x3  }
0x9a: {  	_ =	strace s3  }
0x9b: {  	s3 =	sld [smem:$0x3FFD];
	_ =	sdelay $0x3  }
0x9c: {  	_ =	strace s3  }
0x9d: {  	_ =	strace $0x8FFFFFFF  }
0x9e: {  	s18 =	sld [smem:$0x3FDB];
	_ =	sdelay $0x1  }
0x9f: {  	s19 =	simm.s32 $_scs_section_size  }
0xa0: {  	s5 =	simm.s32 $_size__tile_overlayer_lowered;
	s6 =	simm.s32 $_tile_overlayer_lowered  }
0xa1: {  	s22 =	simm.s32 $0x1BFF;
	s21 =	sshll.u32 s6, $0x1;
	s3 =	sadd.s32 s19, s18  }
0xa2: {  	s7 =	simm.s32 $0x0;
	s20 =	sshll.u32 s5, $0x1;
	s5 =	sadd.s32 s21, s3  }
0xa3: {  	[timem:s7], [sflag:s22] =	dma.local [hbm:s5], s20  }
0xa4: {  	_ =	swait.ge [sflag:s22], s20  }
0xa5: {  	s4 =	ssub.s32 $0x0, s20;
	[sflag:s22] =	ssyncset.done $0x0  }
0xa6: {  	[sflag:s22] =	ssyncadd.s32 s4;
	_ =	sdelay $0x1  }
0xa7: {  	s23 =	simm.s32 $0x1B8B  }
0xa8: {  	_ =	swait.ge [sflag:s23], $0x1  }
0xa9: {  	[sflag:s23] =	ssyncset.done $0x0  }
0xaa: {  	s25 =	simm.s32 $0x1B8E;
	s24 =	sld [smem:$0x3FFE];
	[sflag:s23] =	ssyncadd.s32 $0xFFFFFFFF  }
0xab: {  	s26 =	simm.s32 $execute0_lowered;
	[smem:$0x3FD2] =	sst s25  }
0xac: {  	s5 =	sshll.u32 s26, $0x1;
	_ =	strace $0x80000049;
	[dreg:$0x1] =	wrdreg $0xFFFFFFFF  }
0xad: {  	s28 =	simm.s32 $_size_execute0_lowered;
	s3 =	sadd.s32 s3, s5;
	[dreg:$0x0] =	wrdreg $0x0  }
0xae: {  	s5 =	sshll.u32 s28, $0x1;
	[dreg:$0x2] =	wrdreg s3  }
0xaf: {  	[dreg:$0x3] =	wrdreg s5  }
0xb0: {  	[dreg:$0x4] =	wrdreg $0xC0  }
0xb1: {  	_ =	task [dreg:s7], $0x5FFFF  }
0xb2: {  	[dreg:$0x1] =	wrdreg $0xFFFFFFFF  }
0xb3: {  	[dreg:$0x0] =	wrdreg $0x60  }
0xb4: {  	[dreg:$0x2] =	wrdreg s24  }
0xb5: {  	[dreg:$0x3] =	wrdreg s16  }
0xb6: {  	[dreg:$0x4] =	wrdreg $0x14A000  }
0xb7: {  	[dreg:$0x5] =	wrdreg $0xADC00  }
0xb8: {  	[dreg:$0x6] =	wrdreg $0x9  }
0xb9: {  	_ =	task.clear_ibuf [dreg:s7], $0x7FFFF;
	_ =	strace $0x90000049  }
0xba: {  	s29 =	simm.s32 $0x9;
	_ =	strace $0x8000004B  }
0xbb: {  	_ =	swait.ge [sflag:s29], $0x1  }
0xbc: {  	[sflag:s29] =	ssyncadd.s32 $0xFFFFFFFF  }
0xbd: {  	_ =	strace $0x9000004B  }
0xbe: {  	_ =	sfence  }
0xbf: {  	s30 =	sld [smem:$0x0];
	_ =	sdelay $0x2  }
0xc0: {  	s31 =	sshll.u32 s1, $0xD;
	s1 =	sshrl.u32 s1, $0x2  }
0xc1: {  	s3 =	sand.u32 $0x4000, s31;
	s1 =	sadd.s32 s1, s30  }
0xc2: {  	s0 =	sor.u32 s3, s0;
	s1 =	sshll.u32 s1, $0x11  }
0xc3: {  	s0 =	sor.u32 s1, s0  }
0xc4: {  	s0 =	sadd.s32 $0x8F2B, s0  }
0xc5: {  	[sflag:s0] =	ssyncadd.remote.s32 $0x1  }
0xc6: {  	_ =	sfence.sel $0xFFFF  }
0xc7: {  	[dreg:$0x0] =	wrdreg $0xFFFFFFFF;
	(pc) =	sbr.abs _section_cstart, $3  }
0xc8: {  	[dreg:$0x1] =	wrdreg $0xFFFFFFFF  }
0xc9: {  	_ =	task.clear_ibuf [dreg:s7], $0x2FFFF;
	_ =	strace $0x9FFFFFFF  }
0xca: {  	(tm) =	ssettm $0x7FFFFFFF  }
0xcb: {  	_ =	shalt  }
tec
execute0_lowered:
.L_overlay_start_1:
0x0: {  	(tag) =	ssettag $0x1  }
0x1: {  	s0 =	rddreg [dreg:$0x0]  }
0x2: {  	s3 =	rddreg [dreg:$0x2]  }
0x3: {  	s4 =	rddreg [dreg:$0x3];
	s9 =	stileid.u32  }
0x4: {  	s1 =	srdreg.scid;
	s5 =	simm.s32 $0x0;
	s22 =	simm.s32 $0x3  }
0x5: {  	s23 =	simm.s32 $0x8E80;
	s30 =	simm.s32 $0x0;
	s1 =	sand.u32 $0x1, s1  }
0x6: {  	s2 =	sshll.u32 s9, $0x1;
	s14 =	smul.u32 $0x9C40, s9;
	[smem:$0x7FF] =	sst s5  }
0x7: {  	s24 =	sshll.u32 s9, $0x6;
	s2 =	sor.u32 s1, s2;
	_ =	strace $0x8000004A  }
0x8: {  	s7 =	ssub.s32 $0x2, s1;
	s25 =	sor.u32 $0x1C03, s24;
	s1 =	smul.u32 $0x9C400, s1  }
0x9: {  	s24 =	simm.s32 $0x7D;
	s2 =	smul.u32 $0x2800, s2;
	s6 =	sshrl.u32 s14, $0x3  }
0xa: {  	s8 =	sshrl.u32 s7, $0x1;
	s21 =	sadd.s32 s14, s3;
	[dreg:$0x6] =	wrdreg s25  }
0xb: {  	s15 =	sadd.s32 $0x1F40, s14;
	s17 =	sadd.s32 $0x3E80, s14;
	s18 =	sadd.s32 $0x5DC0, s14  }
0xc: {  	s19 =	sadd.s32 $0x7D00, s14;
	s6 =	sadd.s32 s6, s0;
	s20 =	ssub.s32 s7, s8  }
0xd: {  	s8 =	sadd.s32 s14, s4;
	s9 =	sadd.s32 s15, s4;
	s10 =	sadd.s32 s17, s4  }
0xe: {  	s11 =	sadd.s32 s18, s4;
	s12 =	sadd.s32 s19, s4;
	s16 =	sadd.s32 s14, s1  }
0xf: {  	s15 =	sadd.s32 s1, s15;
	s29 =	sadd.s32 s1, s17;
	s18 =	sadd.s32 s1, s18  }
0x10: {  	s1 =	sadd.s32 s1, s19;
	s21 =	sshrl.u32 s21, $0x3;
	s2 =	sshrl.u32 s2, $0x3  }
0x11: {  	s6 =	sadd.s32 $0x8BE00, s6;
	s26 =	sshrl.u32 s16, $0x3;
	s28 =	sshrl.u32 s15, $0x3  }
0x12: {  	s31 =	sshrl.u32 s18, $0x3;
	s1 =	sshrl.u32 s1, $0x3;
	s20 =	smax.u32 s20, $0x1  }
0x13: {  	s2 =	sadd.s32 s2, s0;
	s0 =	sadd.s32 $0x9F800, s0;
	[dreg:$0x5] =	wrdreg s6  }
0x14: {  	s13 =	sadd.s32 $0x2A00, s2;
	s14 =	sadd.s32 $0xCA00, s2;
	s15 =	sadd.s32 s0, s26  }
0x15: {  	s16 =	sadd.s32 s0, s28;
	s2 =	sshrl.u32 s29, $0x3;
	s18 =	sadd.s32 s0, s31  }
0x16: {  	s19 =	sadd.s32 s0, s1;
	s26 =	simm.s32 $0x2;
	s17 =	sadd.s32 s0, s2  }
.LBB2_1:
0x17: {  	s0 =	rddreg [dreg:$0x5]  }
0x18: {  	s1 =	rddreg [dreg:$0x6]  }
0x19: {  	[spmem:s21], [sflag:s1] =	dma.local [hbm:s0], $0x1388  }
0x1a: {  	_ =	swait.ge [sflag:s22], $0x1388  }
0x1b: {  	[sflag:s22] =	ssyncset.done $0x0  }
0x1c: {  	[sflag:s22] =	ssyncadd.s32 $0xFFFFEC78  }
0x1d: {  	s1 =	rddreg [dreg:$0x1]  }
0x1e: {  	[tilespmem:s23], [sflag:$0x3] =	stream.linear.gather [hbm4b:s1+s5], $0x1F40, $0x38;
	[tilespmem:$0x1E640] =	vst v63  }
0x1f: {  	_ =	swait.ge [sflag:s22], $0x1F40  }
0x20: {  	[sflag:s22] =	ssyncset.done $0x0  }
0x21: {  	[sflag:s22] =	ssyncadd.s32 $0xFFFFE0C0  }
0x22: {  	[spmem:s8] =	stream.linear.scatter [tilespmem:s23], [sflag:$0x3], $0x1F40, $0x38;
	[tilespmem:$0x1E640] =	vst v63  }
0x23: {  	_ =	swait.ge [sflag:s22], $0x1F40  }
0x24: {  	[sflag:s22] =	ssyncset.done $0x0  }
0x25: {  	[sflag:s22] =	ssyncadd.s32 $0xFFFFE0C0  }
0x26: {  	[spmem:s9] =	stream.linear.scatter [tilespmem:s23], [sflag:$0x3], $0x1F40, $0x38;
	[tilespmem:$0x1E640] =	vst v63  }
0x27: {  	_ =	swait.ge [sflag:s22], $0x1F40  }
0x28: {  	[sflag:s22] =	ssyncset.done $0x0  }
0x29: {  	[sflag:s22] =	ssyncadd.s32 $0xFFFFE0C0  }
0x2a: {  	[spmem:s10] =	stream.linear.scatter [tilespmem:s23], [sflag:$0x3], $0x1F40, $0x38;
	[tilespmem:$0x1E640] =	vst v63  }
0x2b: {  	_ =	swait.ge [sflag:s22], $0x1F40  }
0x2c: {  	[sflag:s22] =	ssyncset.done $0x0  }
0x2d: {  	[sflag:s22] =	ssyncadd.s32 $0xFFFFE0C0  }
0x2e: {  	[spmem:s11] =	stream.linear.scatter [tilespmem:s23], [sflag:$0x3], $0x1F40, $0x38;
	[tilespmem:$0x1E640] =	vst v63  }
0x2f: {  	_ =	swait.ge [sflag:s22], $0x1F40  }
0x30: {  	[sflag:s22] =	ssyncset.done $0x0  }
0x31: {  	[sflag:s22] =	ssyncadd.s32 $0xFFFFE0C0  }
0x32: {  	[spmem:s12] =	stream.linear.scatter [tilespmem:s23], [sflag:$0x3], $0x1F40, $0x38;
	[tilespmem:$0x1E640] =	vst v63  }
0x33: {  	_ =	swait.ge [sflag:s22], $0x1F40  }
0x34: {  	[sflag:s22] =	ssyncset.done $0x0  }
0x35: {  	[sflag:s22] =	ssyncadd.s32 $0xFFFFE0C0  }
0x36: {  	[tilespmem:s5], [sflag:$0x3] =	stream.linear.gather [hbm4b:s13+s5], $0x2800, $0x38;
	[tilespmem:$0x1E640] =	vst v63  }
0x37: {  	_ =	swait.ge [sflag:s22], $0x2800  }
0x38: {  	[sflag:s22] =	ssyncset.done $0x0  }
0x39: {  	s31 =	simm.s32 $0x2800;
	[sflag:s22] =	ssyncadd.s32 $0xFFFFD800  }
0x3a: {  	[tilespmem:s31], [sflag:$0x3] =	stream.linear.gather [hbm4b:s14+s5], $0x2800, $0x38;
	[tilespmem:$0x1E640] =	vst v63  }
0x3b: {  	_ =	swait.ge [sflag:s22], $0x2800  }
0x3c: {  	s2 =	simm.s32 $0x1;
	s7 =	simm.s32 $0x0;
	[sflag:s22] =	ssyncset.done $0x0  }
0x3d: {  	s25 =	simm.s32 $0x80;
	s0 =	sand.u32 $0x1, s2;
	[sflag:s22] =	ssyncadd.s32 $0xFFFFD800  }
0x3e: {  	s2 =	simm.s32 $0x5000;
	s6 =	smul.u32 $0x7D00, s0;
	[bflag:$0x0] =	sbarrier.arrive $0xFFFF  }
0x3f: {  	[tilespmem:s2], [sflag:$0x1] =	stream.indirect.gather [spmem:s3], $0x40, s5, s24, $0xb8;
	[tilespmem:$0x1E640] =	vst v63  }
0x40: {  	s0 =	sadd.s32 $0x1, s0;
	s1 =	sshrl.u32 s6, $0x2;
	s2 =	sand.u32 $0x1, s7  }
0x41: {  	s1 =	sadd.s32 $0x5000, s1;
	s28 =	smul.u32 $0x7D00, s2;
	s2 =	sadd.s32 $0x1, s2  }
0x42: {  	[tilespmem:s1], [sflag:s0] =	stream.indirect.gather [spmem:s3], $0x40, s25, s24, $0xb8;
	[tilespmem:$0x1E640] =	vst v63  }
0x43: {  	s1 =	simm.s32 $0x2;
	_ =	swait.ge [sflag:s2], $0x1F40  }
0x44: {  	s25 =	simm.s32 $0x3;
	s29 =	sshrl.u32 s28, $0x2;
	[sflag:s2] =	ssyncset.done $0x0  }
0x45: {  	s0 =	sadd.s32 $0x5000, s29;
	[sflag:s2] =	ssyncadd.s32 $0xFFFFE0C0;
	s2 =	sand.u32 $0x1, s1  }
0x46: {  	[spmem:s4] =	stream.indirect.scatter.add.f32 [tilespmem:s0], [sflag:$0x3], $0x40, s31, s24, $0xb8;
	[tilespmem:$0x1E640] =	vst v63  }
0x47: {  	s28 =	smul.u32 $0x7D00, s2;
	s0 =	simm.s32 $0x100;
	_ =	swait.ge [sflag:s22], $0x1F40  }
.LBB2_2:
0x48: {  	[sflag:s22] =	ssyncset.done $0x0  }
0x49: {  	s31 =	sadd.s32 $0x80, s31;
	s29 =	smov.u32 s25;
	s6 =	sadd.s32 $0x1, s25  }
0x4a: {  	s1 =	sadd.s32 $0xFFFFFFFF, s1;
	s28 =	sshrl.u32 s28, $0x2;
	[sflag:s22] =	ssyncadd.s32 $0xFFFFE0C0  }
0x4b: {  	s2 =	sadd.s32 $0x1, s2;
	s1 =	sand.u32 $0x1, s1;
	s28 =	sadd.s32 $0x5000, s28  }
0x4c: {  	p0 =	sne.s32 s25, $0x4F;
	s25 =	smul.u32 $0x7D00, s1;
	s7 =	sadd.s32 $0x1, s1  }
0x4d: {  	[tilespmem:s28], [sflag:s2] =	stream.indirect.gather [spmem:s3], $0x40, s0, s24, $0xb8;
	[tilespmem:$0x1E640] =	vst v63  }
.Ltmp0:
0x4e: {  	s1 =	sshrl.u32 s25, $0x2;
	_ =	swait.ge [sflag:s7], $0x1F40;
	(pc) =	sbr.rel @p0 .LBB2_2-.Ltmp0, $4  }
0x4f: {  	s25 =	sadd.s32 $0x5000, s1;
	s1 =	smov.u32 s29;
	[sflag:s7] =	ssyncset.done $0x0  }
0x50: {  	s0 =	sadd.s32 $0x80, s0;
	s2 =	sand.u32 $0x1, s1;
	[sflag:s7] =	ssyncadd.s32 $0xFFFFE0C0  }
0x51: {  	[spmem:s4] =	stream.indirect.scatter.add.f32 [tilespmem:s25], [sflag:$0x3], $0x40, s31, s24, $0xb8;
	[tilespmem:$0x1E640] =	vst v63  }
0x52: {  	s28 =	smul.u32 $0x7D00, s2;
	s25 =	smov.u32 s6;
	_ =	swait.ge [sflag:s22], $0x1F40  }
0x53: {  	_ = 	snop  }
0x54: {  	[sflag:s22] =	ssyncset.done $0x0;
	s2 =	sadd.s32 $0x1, s2;
	s6 =	sshrl.u32 s28, $0x2  }
0x55: {  	s7 =	sadd.s32 $0xFFFFFFFF, s1;
	[sflag:s22] =	ssyncadd.s32 $0xFFFFE0C0;
	s6 =	sadd.s32 $0x5000, s6  }
0x56: {  	[tilespmem:s6], [sflag:s2] =	stream.indirect.gather [spmem:s3], $0x40, s0, s24, $0xb8;
	[tilespmem:$0x1E640] =	vst v63  }
0x57: {  	s0 =	sand.u32 $0x1, s7  }
0x58: {  	s25 =	smul.u32 $0x7D00, s0;
	s0 =	sadd.s32 $0x1, s0  }
0x59: {  	_ =	swait.ge [sflag:s0], $0x1F40  }
0x5a: {  	s1 =	sshrl.u32 s25, $0x2;
	[sflag:s0] =	ssyncset.done $0x0  }
0x5b: {  	s28 =	sadd.s32 $0x80, s31;
	[sflag:s0] =	ssyncadd.s32 $0xFFFFE0C0;
	s1 =	sadd.s32 $0x5000, s1  }
0x5c: {  	[spmem:s4] =	stream.indirect.scatter.add.f32 [tilespmem:s1], [sflag:$0x3], $0x40, s28, s24, $0xb8;
	[tilespmem:$0x1E640] =	vst v63  }
0x5d: {  	_ =	swait.ge [sflag:s22], $0x1F40  }
0x5e: {  	[sflag:s22] =	ssyncset.done $0x0  }
0x5f: {  	[sflag:s22] =	ssyncadd.s32 $0xFFFFE0C0  }
0x60: {  	_ =	swait.ge [sflag:s26], $0x1F40  }
0x61: {  	[sflag:s26] =	ssyncset.done $0x0  }
0x62: {  	s29 =	simm.s32 $0x4F80;
	s31 =	simm.s32 $0x6F40;
	[sflag:s26] =	ssyncadd.s32 $0xFFFFE0C0  }
0x63: {  	[spmem:s4] =	stream.indirect.scatter.add.f32 [tilespmem:s31], [sflag:$0x3], $0x40, s29, s24, $0xb8;
	[tilespmem:$0x1E640] =	vst v63  }
0x64: {  	_ =	swait.ge [sflag:s22], $0x1F40  }
0x65: {  	[sflag:s22] =	ssyncset.done $0x0  }
0x66: {  	[sflag:s22] =	ssyncadd.s32 $0xFFFFE0C0  }
0x67: {  	[bflag:$0x0] =	sbarrier.arrive $0xFFFF  }
0x68: {  	[tilespmem:s23], [sflag:$0x3] =	stream.linear.gather [spmem:s8], $0x1F40, $0x38;
	[tilespmem:$0x1E640] =	vst v63  }
0x69: {  	_ =	swait.ge [sflag:s22], $0x1F40  }
0x6a: {  	[sflag:s22] =	ssyncset.done $0x0  }
0x6b: {  	[sflag:s22] =	ssyncadd.s32 $0xFFFFE0C0  }
0x6c: {  	[hbm4b:s15+s5] =	stream.linear.scatter [tilespmem:s23], [sflag:$0x3], $0x1F40, $0x38;
	[tilespmem:$0x1E640] =	vst v63  }
0x6d: {  	_ =	swait.ge [sflag:s22], $0x1F40  }
0x6e: {  	[sflag:s22] =	ssyncset.done $0x0  }
0x6f: {  	[sflag:s22] =	ssyncadd.s32 $0xFFFFE0C0  }
0x70: {  	[tilespmem:s23], [sflag:$0x3] =	stream.linear.gather [spmem:s9], $0x1F40, $0x38;
	[tilespmem:$0x1E640] =	vst v63  }
0x71: {  	_ =	swait.ge [sflag:s22], $0x1F40  }
0x72: {  	[sflag:s22] =	ssyncset.done $0x0  }
0x73: {  	[sflag:s22] =	ssyncadd.s32 $0xFFFFE0C0  }
0x74: {  	[hbm4b:s16+s5] =	stream.linear.scatter [tilespmem:s23], [sflag:$0x3], $0x1F40, $0x38;
	[tilespmem:$0x1E640] =	vst v63  }
0x75: {  	_ =	swait.ge [sflag:s22], $0x1F40  }
0x76: {  	[sflag:s22] =	ssyncset.done $0x0  }
0x77: {  	[sflag:s22] =	ssyncadd.s32 $0xFFFFE0C0  }
0x78: {  	[tilespmem:s23], [sflag:$0x3] =	stream.linear.gather [spmem:s10], $0x1F40, $0x38;
	[tilespmem:$0x1E640] =	vst v63  }
0x79: {  	_ =	swait.ge [sflag:s22], $0x1F40  }
0x7a: {  	[sflag:s22] =	ssyncset.done $0x0  }
0x7b: {  	[sflag:s22] =	ssyncadd.s32 $0xFFFFE0C0  }
0x7c: {  	[hbm4b:s17+s5] =	stream.linear.scatter [tilespmem:s23], [sflag:$0x3], $0x1F40, $0x38;
	[tilespmem:$0x1E640] =	vst v63  }
0x7d: {  	_ =	swait.ge [sflag:s22], $0x1F40  }
0x7e: {  	[sflag:s22] =	ssyncset.done $0x0  }
0x7f: {  	[sflag:s22] =	ssyncadd.s32 $0xFFFFE0C0  }
0x80: {  	[tilespmem:s23], [sflag:$0x3] =	stream.linear.gather [spmem:s11], $0x1F40, $0x38;
	[tilespmem:$0x1E640] =	vst v63  }
0x81: {  	_ =	swait.ge [sflag:s22], $0x1F40  }
0x82: {  	[sflag:s22] =	ssyncset.done $0x0  }
0x83: {  	[sflag:s22] =	ssyncadd.s32 $0xFFFFE0C0  }
0x84: {  	[hbm4b:s18+s5] =	stream.linear.scatter [tilespmem:s23], [sflag:$0x3], $0x1F40, $0x38;
	[tilespmem:$0x1E640] =	vst v63  }
0x85: {  	_ =	swait.ge [sflag:s22], $0x1F40  }
0x86: {  	[sflag:s22] =	ssyncset.done $0x0  }
0x87: {  	[sflag:s22] =	ssyncadd.s32 $0xFFFFE0C0  }
0x88: {  	[tilespmem:s23], [sflag:$0x3] =	stream.linear.gather [spmem:s12], $0x1F40, $0x38;
	[tilespmem:$0x1E640] =	vst v63  }
0x89: {  	s30 =	sadd.s32 $0x1, s30;
	_ =	swait.ge [sflag:s22], $0x1F40  }
0x8a: {  	p0 =	sne.s32 s30, s20;
	[sflag:s22] =	ssyncset.done $0x0  }
.Ltmp1:
0x8b: {  	[sflag:s22] =	ssyncadd.s32 $0xFFFFE0C0;
	(pc) =	sbr.rel @p0 .LBB2_1-.Ltmp1, $4  }
0x8c: {  	[hbm4b:s19+s5] =	stream.linear.scatter [tilespmem:s23], [sflag:$0x3], $0x1F40, $0x38;
	[tilespmem:$0x1E640] =	vst v63  }
0x8d: {  	_ =	swait.ge [sflag:s22], $0x1F40  }
0x8e: {  	[sflag:s22] =	ssyncset.done $0x0  }
0x8f: {  	[sflag:s22] =	ssyncadd.s32 $0xFFFFE0C0  }
0x90: {  	_ =	sfence.sel $0x180000  }
0x91: {  	[bflag:$0x0] =	sbarrier.arrive $0xFFFF  }
0x92: {  	_ =	strace $0x9000004A  }
0x93: {  	s0 =	stileid.u32;
	[bflag:$0x2] =	sbarrier.arrive $0xFFFF  }
0x94: {  	p0 =	sne.s32 s0, $0x0;
	s0 =	rddreg [dreg:$0x4]  }
0x95: {  	s0 =	sadd.s32 @!p0 $0x100000, s0  }
0x96: {  	[sflag:s0] =	ssyncadd.tile.s32 @!p0 $0x1;
	_ =	shalt  }
.Lfunc_end2:
_tile_overlayer_lowered:
.L_overlay_start_2:
0x97: {  	(tag) =	ssettag $0x2  }
0x98: {  	s0 =	rddreg [dreg:$0x0];
	s2 =	stileid.u32  }
0x99: {  	s1 =	rddreg [dreg:$0x1];
	p0 =	sne.s32 s2, $0x0  }
0x9a: {  	s3 =	rddreg [dreg:$0x2];
	[bflag:$0x3] =	sbarrier.arrive $0xFFFF;
	s2 =	simm.s32 @!p0 $0x1C03  }
0x9b: {  	[timem:s3], [sflag:s2] =	dma.local @!p0 [hbm:s0], s1  }
0x9c: {  	s0 =	simm.s32 @!p0 $0x3  }
0x9d: {  	_ =	swait.ge @!p0 [sflag:s0], s1  }
0x9e: {  	s1 =	ssub.s32 @!p0 $0x0, s1;
	[sflag:s0] =	ssyncset.done @!p0 $0x0  }
0x9f: {  	[sflag:s0] =	ssyncadd.s32 @!p0 s1  }
0xa0: {  	[bflag:$0x3] =	sbarrier.arrive $0xFFFF  }
0xa1: {  	_ =	shalt  }

// kernel: kernel.15.cloned.1.call-start
scs
__scs_entry_jumppad:
0x0: {  	(pc) =	sbr.rel $0x88, $3  }
0x1: {  	(tag) =	ssettag $0x0;
	lr =	simm.s32 $0x1  }
0x2: {  	[smem:$0x3F98] =	sst lr;
	_ =	strace $0xD0000000  }
0x3: {  	_ = 	snop  }
0x4: {  	_ = 	snop  }
0x5: {  	_ = 	snop  }
0x6: {  	_ = 	snop  }
0x7: {  	_ = 	snop  }
__scs_overlays_trampoline_lowered:
0x8: {  	[smem:$0x3FA7] =	sst s0  }
0x9: {  	[smem:$0x3FA8] =	sst s1  }
0xa: {  	[smem:$0x3FA9] =	sst s2  }
0xb: {  	[smem:$0x3FAA] =	sst s3  }
0xc: {  	[smem:$0x3FAB] =	sst s4  }
0xd: {  	[smem:$0x3FAC] =	sst s5  }
0xe: {  	[smem:$0x3FAD] =	sst s6  }
0xf: {  	[smem:$0x3FAE] =	sst s7  }
0x10: {  	[smem:$0x3FAF] =	sst s8  }
0x11: {  	[smem:$0x3FB0] =	sst s9;
	s0 =	simm.s32 @!p0 $0x0  }
0x12: {  	s1 =	sld [smem:$0x3F96];
	s0 =	simm.s32 @p0 $0x1  }
0x13: {  	[smem:$0x3FB1] =	sst s0;
	s0 =	simm.s32 @!p1 $0x0  }
0x14: {  	s2 =	sld [smem:$0x3F95];
	s0 =	simm.s32 @p1 $0x1  }
0x15: {  	[smem:$0x3FB2] =	sst s0;
	s0 =	simm.s32 @!p2 $0x0  }
0x16: {  	s3 =	sld [smem:$0x3FDB];
	s0 =	simm.s32 @p2 $0x1  }
0x17: {  	s4 =	simm.s32 $0x1BF5;
	[smem:$0x3FB4] =	sst s0  }
0x18: {  	s0 =	sld [smem:$0x3F97];
	_ =	swait.ge [sflag:s4], $0x0  }
0x19: {  	s7 =	sld [smem:$0x3F98]  }
0x1a: {  	s8 =	sadd.s32 $0xFFFFE003, lr  }
0x1b: {  	s9 =	sadd.s32 $0xFFFFFEF7, lr;
	s5 =	simm.s32 $0xFFFFFFFF;
	p2 =	slt.u32 s8, $0xFFFFF086  }
0x1c: {  	p1 =	slt.u32 s9, $0xF7A;
	s5 =	simm.s32 @!p2 $0x0  }
0x1d: {  	s5 =	simm.s32 @p1 $0x1;
	p0 =	seq.s32 s7, s2  }
0x1e: {  	s7 =	smul.u32 @!p0 $0xF7A, s2;
	p2 =	seq.s32 @!p0 s5, $0x0  }
0x1f: {  	s9 =	smul.u32 $0xF7A, s1;
	s8 =	simm.s32 @!p0 $0x1BF5;
	p2 =	por !p2, p0  }
0x20: {  	[sflag:s8] =	ssyncset.s32 @!p0 $0xFFFFF086;
	s6 =	sadd.s32 @!p0 s3, s7;
	s7 =	simm.s32 @!p0 $0x108  }
0x21: {  	s3 =	sadd.s32 s3, s9;
	s6 =	sadd.s32 @!p0 $0x88, s6;
	s7 =	simm.s32 @p2 $0x1082  }
0x22: {  	[simem:s7], [sflag:s8] =	dma.local @!p0 [hbm:s6], $0xF7A  }
0x23: {  	s9 =	sor.u32 $0xD0000000, s2;
	s6 =	simm.s32 $0x108;
	_ =	swait.ge @!p0 [sflag:s8], $0x0  }
0x24: {  	s3 =	sadd.s32 $0x88, s3;
	s6 =	simm.s32 @!p1 $0x1082;
	[sflag:s4] =	ssyncset.s32 $0xFFFFF086  }
0x25: {  	[simem:s6], [sflag:s4] =	dma.local [hbm:s3], $0xF7A  }
0x26: {  	[smem:$0x3F98] =	sst s1;
	(tag) =	ssettag s2;
	_ =	strace s9  }
0x27: {  	s1 =	sld [smem:$0x3FA8]  }
0x28: {  	s2 =	sld [smem:$0x3FA9]  }
0x29: {  	s4 =	sld [smem:$0x3FAB]  }
0x2a: {  	p0 =	seq.s32 s5, $0x0;
	s5 =	sld [smem:$0x3FAC]  }
0x2b: {  	s6 =	sld [smem:$0x3FAD]  }
0x2c: {  	s7 =	sld [smem:$0x3FAE]  }
0x2d: {  	s3 =	simm.s32 $0x108;
	s8 =	sld [smem:$0x3FAF]  }
0x2e: {  	s3 =	simm.s32 @!p0 $0x1082;
	s9 =	sld [smem:$0x3FB0]  }
0x2f: {  	lr =	sadd.s32 s0, s3;
	s0 =	sld [smem:$0x3FA7]  }
0x30: {  	s3 =	sld [smem:$0x3FAA]  }
0x31: {  	[smem:$0x3FB3] =	sst s10  }
0x32: {  	s10 =	sld [smem:$0x3FB1];
	_ =	sdelay $0x3  }
0x33: {  	p0 =	seq.s32 s10, $0x1;
	s10 =	sld [smem:$0x3FB3];
	_ =	sdelay $0x3  }
0x34: {  	[smem:$0x3FB3] =	sst s10  }
0x35: {  	s10 =	sld [smem:$0x3FB2];
	_ =	sdelay $0x3  }
0x36: {  	p1 =	seq.s32 s10, $0x1;
	s10 =	sld [smem:$0x3FB3];
	_ =	sdelay $0x3  }
0x37: {  	[smem:$0x3FB3] =	sst s10  }
0x38: {  	s10 =	sld [smem:$0x3FB4]  }
0x39: {  	_ = 	snop;
	(pc) =	sbr.ind lr, $3  }
0x3a: {  	_ = 	snop  }
0x3b: {  	_ = 	snop  }
0x3c: {  	p2 =	seq.s32 s10, $0x1;
	s10 =	sld [smem:$0x3FB3]  }
0x3d: {  	_ =	shalt  }
0x3e: {  	_ =	shalt  }
0x3f: {  	_ =	shalt  }
0x40: {  	_ =	shalt  }
0x41: {  	_ =	shalt  }
0x42: {  	_ =	shalt  }
0x43: {  	_ =	shalt  }
0x44: {  	_ =	shalt  }
0x45: {  	_ =	shalt  }
0x46: {  	_ =	shalt  }
0x47: {  	_ =	shalt  }
0x48: {  	_ =	shalt  }
0x49: {  	_ =	shalt  }
0x4a: {  	_ =	shalt  }
0x4b: {  	_ =	shalt  }
0x4c: {  	_ =	shalt  }
0x4d: {  	_ =	shalt  }
0x4e: {  	_ =	shalt  }
0x4f: {  	_ =	shalt  }
0x50: {  	_ =	shalt  }
0x51: {  	_ =	shalt  }
0x52: {  	_ =	shalt  }
0x53: {  	_ =	shalt  }
0x54: {  	_ =	shalt  }
0x55: {  	_ =	shalt  }
0x56: {  	_ =	shalt  }
0x57: {  	_ =	shalt  }
0x58: {  	_ =	shalt  }
0x59: {  	_ =	shalt  }
0x5a: {  	_ =	shalt  }
0x5b: {  	_ =	shalt  }
0x5c: {  	_ =	shalt  }
0x5d: {  	_ =	shalt  }
0x5e: {  	_ =	shalt  }
0x5f: {  	_ =	shalt  }
0x60: {  	_ =	shalt  }
0x61: {  	_ =	shalt  }
0x62: {  	_ =	shalt  }
0x63: {  	_ =	shalt  }
0x64: {  	_ =	shalt  }
0x65: {  	_ =	shalt  }
0x66: {  	_ =	shalt  }
0x67: {  	_ =	shalt  }
0x68: {  	_ =	shalt  }
0x69: {  	_ =	shalt  }
0x6a: {  	_ =	shalt  }
0x6b: {  	_ =	shalt  }
0x6c: {  	_ =	shalt  }
0x6d: {  	_ =	shalt  }
0x6e: {  	_ =	shalt  }
0x6f: {  	_ =	shalt  }
0x70: {  	_ =	shalt  }
0x71: {  	_ =	shalt  }
0x72: {  	_ =	shalt  }
0x73: {  	_ =	shalt  }
0x74: {  	_ =	shalt  }
0x75: {  	_ =	shalt  }
0x76: {  	_ =	shalt  }
0x77: {  	_ =	shalt  }
0x78: {  	_ =	shalt  }
0x79: {  	_ =	shalt  }
0x7a: {  	_ =	shalt  }
0x7b: {  	_ =	shalt  }
0x7c: {  	_ =	shalt  }
0x7d: {  	_ =	shalt  }
0x7e: {  	_ =	shalt  }
0x7f: {  	_ =	shalt  }
0x80: {  	_ =	shalt  }
0x81: {  	_ =	shalt  }
0x82: {  	_ =	shalt  }
0x83: {  	_ =	shalt  }
0x84: {  	_ =	shalt  }
0x85: {  	_ =	shalt  }
0x86: {  	_ =	shalt  }
0x87: {  	_ =	shalt  }
.Lfunc_end0:
.L_simem_size_0:
called_computation.2_lowered:
.L_overlay_start_0:
0x88: {  	s2 =	sld [smem:$0x3FD9]  }
0x89: {  	s3 =	sld [smem:$0x3FFE];
	_ =	sdelay $0x1  }
0x8a: {  	s1 =	srdreg.scid  }
0x8b: {  	s0 =	sand.u32 $0x1, s1  }
0x8c: {  	s14 =	sshll.u32 s0, $0xA;
	s2 =	sadd.s32 s3, s2  }
0x8d: {  	s2 =	sadd.s32 s2, s14  }
0x8e: {  	[smem:$0x3FBF] =	sst s2  }
0x8f: {  	_ = 	snop  }
0x90: {  	s2 =	sld [smem:$0x3FD0];
	_ =	sdelay $0x2  }
0x91: {  	s15 =	simm.s32 $0xA;
	s4 =	simm.s32 $0x10  }
0x92: {  	[smem:s4], [sflag:s15] =	dma.local [hbm:s2], $0x1  }
0x93: {  	_ =	swait.eq [sflag:s15], $0x1  }
0x94: {  	[sflag:s15] =	ssyncset.done $0x0  }
0x95: {  	[sflag:s15] =	ssyncadd.s32 $0xFFFFFFFF  }
0x96: {  	s16 =	sld [smem:$0x11];
	(tm) =	ssettm $0x1  }
0x97: {  	s17 =	sld [smem:$0x3FFB];
	_ =	sdelay $0x3  }
0x98: {  	_ =	strace s17  }
0x99: {  	s3 =	sld [smem:$0x3FFC];
	_ =	sdelay $0x3  }
0x9a: {  	_ =	strace s3  }
0x9b: {  	s3 =	sld [smem:$0x3FFD];
	_ =	sdelay $0x3  }
0x9c: {  	_ =	strace s3  }
0x9d: {  	_ =	strace $0x8FFFFFFF  }
0x9e: {  	s18 =	sld [smem:$0x3FDB];
	_ =	sdelay $0x1  }
0x9f: {  	s19 =	simm.s32 $_scs_section_size  }
0xa0: {  	s5 =	simm.s32 $_size__tile_overlayer_lowered;
	s6 =	simm.s32 $_tile_overlayer_lowered  }
0xa1: {  	s22 =	simm.s32 $0x1BFF;
	s21 =	sshll.u32 s6, $0x1;
	s3 =	sadd.s32 s19, s18  }
0xa2: {  	s7 =	simm.s32 $0x0;
	s20 =	sshll.u32 s5, $0x1;
	s5 =	sadd.s32 s21, s3  }
0xa3: {  	[timem:s7], [sflag:s22] =	dma.local [hbm:s5], s20  }
0xa4: {  	_ =	swait.ge [sflag:s22], s20  }
0xa5: {  	s4 =	ssub.s32 $0x0, s20;
	[sflag:s22] =	ssyncset.done $0x0  }
0xa6: {  	[sflag:s22] =	ssyncadd.s32 s4;
	_ =	sdelay $0x1  }
0xa7: {  	s23 =	simm.s32 $0x1B8B  }
0xa8: {  	_ =	swait.ge [sflag:s23], $0x1  }
0xa9: {  	[sflag:s23] =	ssyncset.done $0x0  }
0xaa: {  	s25 =	simm.s32 $0x1B8E;
	s24 =	sld [smem:$0x3FFE];
	[sflag:s23] =	ssyncadd.s32 $0xFFFFFFFF  }
0xab: {  	s26 =	simm.s32 $execute0_lowered;
	[smem:$0x3FD2] =	sst s25  }
0xac: {  	s5 =	sshll.u32 s26, $0x1;
	_ =	strace $0x8000004C;
	[dreg:$0x1] =	wrdreg $0xFFFFFFFF  }
0xad: {  	s28 =	simm.s32 $_size_execute0_lowered;
	s3 =	sadd.s32 s3, s5;
	[dreg:$0x0] =	wrdreg $0x0  }
0xae: {  	s5 =	sshll.u32 s28, $0x1;
	[dreg:$0x2] =	wrdreg s3  }
0xaf: {  	[dreg:$0x3] =	wrdreg s5  }
0xb0: {  	[dreg:$0x4] =	wrdreg $0xC0  }
0xb1: {  	_ =	task [dreg:s7], $0x5FFFF  }
0xb2: {  	[dreg:$0x1] =	wrdreg $0xFFFFFFFF  }
0xb3: {  	[dreg:$0x0] =	wrdreg $0x60  }
0xb4: {  	[dreg:$0x2] =	wrdreg s24  }
0xb5: {  	[dreg:$0x3] =	wrdreg s16  }
0xb6: {  	[dreg:$0x4] =	wrdreg $0x14A000  }
0xb7: {  	[dreg:$0x5] =	wrdreg $0xADC00  }
0xb8: {  	[dreg:$0x6] =	wrdreg $0x9  }
0xb9: {  	_ =	task.clear_ibuf [dreg:s7], $0x7FFFF;
	_ =	strace $0x9000004C  }
0xba: {  	s29 =	simm.s32 $0x9;
	_ =	strace $0x8000004E  }
0xbb: {  	_ =	swait.ge [sflag:s29], $0x1  }
0xbc: {  	[sflag:s29] =	ssyncadd.s32 $0xFFFFFFFF  }
0xbd: {  	_ =	strace $0x9000004E  }
0xbe: {  	_ =	sfence  }
0xbf: {  	s30 =	sld [smem:$0x0];
	_ =	sdelay $0x2  }
0xc0: {  	s31 =	sshll.u32 s1, $0xD;
	s1 =	sshrl.u32 s1, $0x2  }
0xc1: {  	s3 =	sand.u32 $0x4000, s31;
	s1 =	sadd.s32 s1, s30  }
0xc2: {  	s0 =	sor.u32 s3, s0;
	s1 =	sshll.u32 s1, $0x11  }
0xc3: {  	s0 =	sor.u32 s1, s0  }
0xc4: {  	s0 =	sadd.s32 $0x8F2B, s0  }
0xc5: {  	[sflag:s0] =	ssyncadd.remote.s32 $0x1  }
0xc6: {  	_ =	sfence.sel $0xFFFF  }
0xc7: {  	[dreg:$0x0] =	wrdreg $0xFFFFFFFF;
	(pc) =	sbr.abs _section_cstart, $3  }
0xc8: {  	[dreg:$0x1] =	wrdreg $0xFFFFFFFF  }
0xc9: {  	_ =	task.clear_ibuf [dreg:s7], $0x2FFFF;
	_ =	strace $0x9FFFFFFF  }
0xca: {  	(tm) =	ssettm $0x7FFFFFFF  }
0xcb: {  	_ =	shalt  }
tec
execute0_lowered:
.L_overlay_start_1:
0x0: {  	(tag) =	ssettag $0x1  }
0x1: {  	s0 =	rddreg [dreg:$0x0]  }
0x2: {  	s3 =	rddreg [dreg:$0x2]  }
0x3: {  	s4 =	rddreg [dreg:$0x3];
	s9 =	stileid.u32  }
0x4: {  	s1 =	srdreg.scid;
	s5 =	simm.s32 $0x0;
	s22 =	simm.s32 $0x3  }
0x5: {  	s23 =	simm.s32 $0x8E80;
	s30 =	simm.s32 $0x0;
	s1 =	sand.u32 $0x1, s1  }
0x6: {  	s2 =	sshll.u32 s9, $0x1;
	s14 =	smul.u32 $0x9C40, s9;
	[smem:$0x7FF] =	sst s5  }
0x7: {  	s24 =	sshll.u32 s9, $0x6;
	s2 =	sor.u32 s1, s2;
	_ =	strace $0x8000004D  }
0x8: {  	s7 =	ssub.s32 $0x2, s1;
	s25 =	sor.u32 $0x1C03, s24;
	s1 =	smul.u32 $0x9C400, s1  }
0x9: {  	s24 =	simm.s32 $0x7D;
	s2 =	smul.u32 $0x2800, s2;
	s6 =	sshrl.u32 s14, $0x3  }
0xa: {  	s8 =	sshrl.u32 s7, $0x1;
	s21 =	sadd.s32 s14, s3;
	[dreg:$0x6] =	wrdreg s25  }
0xb: {  	s15 =	sadd.s32 $0x1F40, s14;
	s17 =	sadd.s32 $0x3E80, s14;
	s18 =	sadd.s32 $0x5DC0, s14  }
0xc: {  	s19 =	sadd.s32 $0x7D00, s14;
	s6 =	sadd.s32 s6, s0;
	s20 =	ssub.s32 s7, s8  }
0xd: {  	s8 =	sadd.s32 s14, s4;
	s9 =	sadd.s32 s15, s4;
	s10 =	sadd.s32 s17, s4  }
0xe: {  	s11 =	sadd.s32 s18, s4;
	s12 =	sadd.s32 s19, s4;
	s16 =	sadd.s32 s14, s1  }
0xf: {  	s15 =	sadd.s32 s1, s15;
	s29 =	sadd.s32 s1, s17;
	s18 =	sadd.s32 s1, s18  }
0x10: {  	s1 =	sadd.s32 s1, s19;
	s21 =	sshrl.u32 s21, $0x3;
	s2 =	sshrl.u32 s2, $0x3  }
0x11: {  	s6 =	sadd.s32 $0x64C00, s6;
	s26 =	sshrl.u32 s16, $0x3;
	s28 =	sshrl.u32 s15, $0x3  }
0x12: {  	s31 =	sshrl.u32 s18, $0x3;
	s1 =	sshrl.u32 s1, $0x3;
	s20 =	smax.u32 s20, $0x1  }
0x13: {  	s2 =	sadd.s32 s2, s0;
	s0 =	sadd.s32 $0x78600, s0;
	[dreg:$0x5] =	wrdreg s6  }
0x14: {  	s13 =	sadd.s32 $0x2A00, s2;
	s14 =	sadd.s32 $0xCA00, s2;
	s15 =	sadd.s32 s0, s26  }
0x15: {  	s16 =	sadd.s32 s0, s28;
	s2 =	sshrl.u32 s29, $0x3;
	s18 =	sadd.s32 s0, s31  }
0x16: {  	s19 =	sadd.s32 s0, s1;
	s26 =	simm.s32 $0x2;
	s17 =	sadd.s32 s0, s2  }
.LBB2_1:
0x17: {  	s0 =	rddreg [dreg:$0x5]  }
0x18: {  	s1 =	rddreg [dreg:$0x6]  }
0x19: {  	[spmem:s21], [sflag:s1] =	dma.local [hbm:s0], $0x1388  }
0x1a: {  	_ =	swait.ge [sflag:s22], $0x1388  }
0x1b: {  	[sflag:s22] =	ssyncset.done $0x0  }
0x1c: {  	[sflag:s22] =	ssyncadd.s32 $0xFFFFEC78  }
0x1d: {  	s1 =	rddreg [dreg:$0x1]  }
0x1e: {  	[tilespmem:s23], [sflag:$0x3] =	stream.linear.gather [hbm4b:s1+s5], $0x1F40, $0x38;
	[tilespmem:$0x1E640] =	vst v63  }
0x1f: {  	_ =	swait.ge [sflag:s22], $0x1F40  }
0x20: {  	[sflag:s22] =	ssyncset.done $0x0  }
0x21: {  	[sflag:s22] =	ssyncadd.s32 $0xFFFFE0C0  }
0x22: {  	[spmem:s8] =	stream.linear.scatter [tilespmem:s23], [sflag:$0x3], $0x1F40, $0x38;
	[tilespmem:$0x1E640] =	vst v63  }
0x23: {  	_ =	swait.ge [sflag:s22], $0x1F40  }
0x24: {  	[sflag:s22] =	ssyncset.done $0x0  }
0x25: {  	[sflag:s22] =	ssyncadd.s32 $0xFFFFE0C0  }
0x26: {  	[spmem:s9] =	stream.linear.scatter [tilespmem:s23], [sflag:$0x3], $0x1F40, $0x38;
	[tilespmem:$0x1E640] =	vst v63  }
0x27: {  	_ =	swait.ge [sflag:s22], $0x1F40  }
0x28: {  	[sflag:s22] =	ssyncset.done $0x0  }
0x29: {  	[sflag:s22] =	ssyncadd.s32 $0xFFFFE0C0  }
0x2a: {  	[spmem:s10] =	stream.linear.scatter [tilespmem:s23], [sflag:$0x3], $0x1F40, $0x38;
	[tilespmem:$0x1E640] =	vst v63  }
0x2b: {  	_ =	swait.ge [sflag:s22], $0x1F40  }
0x2c: {  	[sflag:s22] =	ssyncset.done $0x0  }
0x2d: {  	[sflag:s22] =	ssyncadd.s32 $0xFFFFE0C0  }
0x2e: {  	[spmem:s11] =	stream.linear.scatter [tilespmem:s23], [sflag:$0x3], $0x1F40, $0x38;
	[tilespmem:$0x1E640] =	vst v63  }
0x2f: {  	_ =	swait.ge [sflag:s22], $0x1F40  }
0x30: {  	[sflag:s22] =	ssyncset.done $0x0  }
0x31: {  	[sflag:s22] =	ssyncadd.s32 $0xFFFFE0C0  }
0x32: {  	[spmem:s12] =	stream.linear.scatter [tilespmem:s23], [sflag:$0x3], $0x1F40, $0x38;
	[tilespmem:$0x1E640] =	vst v63  }
0x33: {  	_ =	swait.ge [sflag:s22], $0x1F40  }
0x34: {  	[sflag:s22] =	ssyncset.done $0x0  }
0x35: {  	[sflag:s22] =	ssyncadd.s32 $0xFFFFE0C0  }
0x36: {  	[tilespmem:s5], [sflag:$0x3] =	stream.linear.gather [hbm4b:s13+s5], $0x2800, $0x38;
	[tilespmem:$0x1E640] =	vst v63  }
0x37: {  	_ =	swait.ge [sflag:s22], $0x2800  }
0x38: {  	[sflag:s22] =	ssyncset.done $0x0  }
0x39: {  	s31 =	simm.s32 $0x2800;
	[sflag:s22] =	ssyncadd.s32 $0xFFFFD800  }
0x3a: {  	[tilespmem:s31], [sflag:$0x3] =	stream.linear.gather [hbm4b:s14+s5], $0x2800, $0x38;
	[tilespmem:$0x1E640] =	vst v63  }
0x3b: {  	_ =	swait.ge [sflag:s22], $0x2800  }
0x3c: {  	s2 =	simm.s32 $0x1;
	s7 =	simm.s32 $0x0;
	[sflag:s22] =	ssyncset.done $0x0  }
0x3d: {  	s25 =	simm.s32 $0x80;
	s0 =	sand.u32 $0x1, s2;
	[sflag:s22] =	ssyncadd.s32 $0xFFFFD800  }
0x3e: {  	s2 =	simm.s32 $0x5000;
	s6 =	smul.u32 $0x7D00, s0;
	[bflag:$0x0] =	sbarrier.arrive $0xFFFF  }
0x3f: {  	[tilespmem:s2], [sflag:$0x1] =	stream.indirect.gather [spmem:s3], $0x40, s5, s24, $0xb8;
	[tilespmem:$0x1E640] =	vst v63  }
0x40: {  	s0 =	sadd.s32 $0x1, s0;
	s1 =	sshrl.u32 s6, $0x2;
	s2 =	sand.u32 $0x1, s7  }
0x41: {  	s1 =	sadd.s32 $0x5000, s1;
	s28 =	smul.u32 $0x7D00, s2;
	s2 =	sadd.s32 $0x1, s2  }
0x42: {  	[tilespmem:s1], [sflag:s0] =	stream.indirect.gather [spmem:s3], $0x40, s25, s24, $0xb8;
	[tilespmem:$0x1E640] =	vst v63  }
0x43: {  	s1 =	simm.s32 $0x2;
	_ =	swait.ge [sflag:s2], $0x1F40  }
0x44: {  	s25 =	simm.s32 $0x3;
	s29 =	sshrl.u32 s28, $0x2;
	[sflag:s2] =	ssyncset.done $0x0  }
0x45: {  	s0 =	sadd.s32 $0x5000, s29;
	[sflag:s2] =	ssyncadd.s32 $0xFFFFE0C0;
	s2 =	sand.u32 $0x1, s1  }
0x46: {  	[spmem:s4] =	stream.indirect.scatter.add.f32 [tilespmem:s0], [sflag:$0x3], $0x40, s31, s24, $0xb8;
	[tilespmem:$0x1E640] =	vst v63  }
0x47: {  	s28 =	smul.u32 $0x7D00, s2;
	s0 =	simm.s32 $0x100;
	_ =	swait.ge [sflag:s22], $0x1F40  }
.LBB2_2:
0x48: {  	[sflag:s22] =	ssyncset.done $0x0  }
0x49: {  	s31 =	sadd.s32 $0x80, s31;
	s29 =	smov.u32 s25;
	s6 =	sadd.s32 $0x1, s25  }
0x4a: {  	s1 =	sadd.s32 $0xFFFFFFFF, s1;
	s28 =	sshrl.u32 s28, $0x2;
	[sflag:s22] =	ssyncadd.s32 $0xFFFFE0C0  }
0x4b: {  	s2 =	sadd.s32 $0x1, s2;
	s1 =	sand.u32 $0x1, s1;
	s28 =	sadd.s32 $0x5000, s28  }
0x4c: {  	p0 =	sne.s32 s25, $0x4F;
	s25 =	smul.u32 $0x7D00, s1;
	s7 =	sadd.s32 $0x1, s1  }
0x4d: {  	[tilespmem:s28], [sflag:s2] =	stream.indirect.gather [spmem:s3], $0x40, s0, s24, $0xb8;
	[tilespmem:$0x1E640] =	vst v63  }
.Ltmp0:
0x4e: {  	s1 =	sshrl.u32 s25, $0x2;
	_ =	swait.ge [sflag:s7], $0x1F40;
	(pc) =	sbr.rel @p0 .LBB2_2-.Ltmp0, $4  }
0x4f: {  	s25 =	sadd.s32 $0x5000, s1;
	s1 =	smov.u32 s29;
	[sflag:s7] =	ssyncset.done $0x0  }
0x50: {  	s0 =	sadd.s32 $0x80, s0;
	s2 =	sand.u32 $0x1, s1;
	[sflag:s7] =	ssyncadd.s32 $0xFFFFE0C0  }
0x51: {  	[spmem:s4] =	stream.indirect.scatter.add.f32 [tilespmem:s25], [sflag:$0x3], $0x40, s31, s24, $0xb8;
	[tilespmem:$0x1E640] =	vst v63  }
0x52: {  	s28 =	smul.u32 $0x7D00, s2;
	s25 =	smov.u32 s6;
	_ =	swait.ge [sflag:s22], $0x1F40  }
0x53: {  	_ = 	snop  }
0x54: {  	[sflag:s22] =	ssyncset.done $0x0;
	s2 =	sadd.s32 $0x1, s2;
	s6 =	sshrl.u32 s28, $0x2  }
0x55: {  	s7 =	sadd.s32 $0xFFFFFFFF, s1;
	[sflag:s22] =	ssyncadd.s32 $0xFFFFE0C0;
	s6 =	sadd.s32 $0x5000, s6  }
0x56: {  	[tilespmem:s6], [sflag:s2] =	stream.indirect.gather [spmem:s3], $0x40, s0, s24, $0xb8;
	[tilespmem:$0x1E640] =	vst v63  }
0x57: {  	s0 =	sand.u32 $0x1, s7  }
0x58: {  	s25 =	smul.u32 $0x7D00, s0;
	s0 =	sadd.s32 $0x1, s0  }
0x59: {  	_ =	swait.ge [sflag:s0], $0x1F40  }
0x5a: {  	s1 =	sshrl.u32 s25, $0x2;
	[sflag:s0] =	ssyncset.done $0x0  }
0x5b: {  	s28 =	sadd.s32 $0x80, s31;
	[sflag:s0] =	ssyncadd.s32 $0xFFFFE0C0;
	s1 =	sadd.s32 $0x5000, s1  }
0x5c: {  	[spmem:s4] =	stream.indirect.scatter.add.f32 [tilespmem:s1], [sflag:$0x3], $0x40, s28, s24, $0xb8;
	[tilespmem:$0x1E640] =	vst v63  }
0x5d: {  	_ =	swait.ge [sflag:s22], $0x1F40  }
0x5e: {  	[sflag:s22] =	ssyncset.done $0x0  }
0x5f: {  	[sflag:s22] =	ssyncadd.s32 $0xFFFFE0C0  }
0x60: {  	_ =	swait.ge [sflag:s26], $0x1F40  }
0x61: {  	[sflag:s26] =	ssyncset.done $0x0  }
0x62: {  	s29 =	simm.s32 $0x4F80;
	s31 =	simm.s32 $0x6F40;
	[sflag:s26] =	ssyncadd.s32 $0xFFFFE0C0  }
0x63: {  	[spmem:s4] =	stream.indirect.scatter.add.f32 [tilespmem:s31], [sflag:$0x3], $0x40, s29, s24, $0xb8;
	[tilespmem:$0x1E640] =	vst v63  }
0x64: {  	_ =	swait.ge [sflag:s22], $0x1F40  }
0x65: {  	[sflag:s22] =	ssyncset.done $0x0  }
0x66: {  	[sflag:s22] =	ssyncadd.s32 $0xFFFFE0C0  }
0x67: {  	[bflag:$0x0] =	sbarrier.arrive $0xFFFF  }
0x68: {  	[tilespmem:s23], [sflag:$0x3] =	stream.linear.gather [spmem:s8], $0x1F40, $0x38;
	[tilespmem:$0x1E640] =	vst v63  }
0x69: {  	_ =	swait.ge [sflag:s22], $0x1F40  }
0x6a: {  	[sflag:s22] =	ssyncset.done $0x0  }
0x6b: {  	[sflag:s22] =	ssyncadd.s32 $0xFFFFE0C0  }
0x6c: {  	[hbm4b:s15+s5] =	stream.linear.scatter [tilespmem:s23], [sflag:$0x3], $0x1F40, $0x38;
	[tilespmem:$0x1E640] =	vst v63  }
0x6d: {  	_ =	swait.ge [sflag:s22], $0x1F40  }
0x6e: {  	[sflag:s22] =	ssyncset.done $0x0  }
0x6f: {  	[sflag:s22] =	ssyncadd.s32 $0xFFFFE0C0  }
0x70: {  	[tilespmem:s23], [sflag:$0x3] =	stream.linear.gather [spmem:s9], $0x1F40, $0x38;
	[tilespmem:$0x1E640] =	vst v63  }
0x71: {  	_ =	swait.ge [sflag:s22], $0x1F40  }
0x72: {  	[sflag:s22] =	ssyncset.done $0x0  }
0x73: {  	[sflag:s22] =	ssyncadd.s32 $0xFFFFE0C0  }
0x74: {  	[hbm4b:s16+s5] =	stream.linear.scatter [tilespmem:s23], [sflag:$0x3], $0x1F40, $0x38;
	[tilespmem:$0x1E640] =	vst v63  }
0x75: {  	_ =	swait.ge [sflag:s22], $0x1F40  }
0x76: {  	[sflag:s22] =	ssyncset.done $0x0  }
0x77: {  	[sflag:s22] =	ssyncadd.s32 $0xFFFFE0C0  }
0x78: {  	[tilespmem:s23], [sflag:$0x3] =	stream.linear.gather [spmem:s10], $0x1F40, $0x38;
	[tilespmem:$0x1E640] =	vst v63  }
0x79: {  	_ =	swait.ge [sflag:s22], $0x1F40  }
0x7a: {  	[sflag:s22] =	ssyncset.done $0x0  }
0x7b: {  	[sflag:s22] =	ssyncadd.s32 $0xFFFFE0C0  }
0x7c: {  	[hbm4b:s17+s5] =	stream.linear.scatter [tilespmem:s23], [sflag:$0x3], $0x1F40, $0x38;
	[tilespmem:$0x1E640] =	vst v63  }
0x7d: {  	_ =	swait.ge [sflag:s22], $0x1F40  }
0x7e: {  	[sflag:s22] =	ssyncset.done $0x0  }
0x7f: {  	[sflag:s22] =	ssyncadd.s32 $0xFFFFE0C0  }
0x80: {  	[tilespmem:s23], [sflag:$0x3] =	stream.linear.gather [spmem:s11], $0x1F40, $0x38;
	[tilespmem:$0x1E640] =	vst v63  }
0x81: {  	_ =	swait.ge [sflag:s22], $0x1F40  }
0x82: {  	[sflag:s22] =	ssyncset.done $0x0  }
0x83: {  	[sflag:s22] =	ssyncadd.s32 $0xFFFFE0C0  }
0x84: {  	[hbm4b:s18+s5] =	stream.linear.scatter [tilespmem:s23], [sflag:$0x3], $0x1F40, $0x38;
	[tilespmem:$0x1E640] =	vst v63  }
0x85: {  	_ =	swait.ge [sflag:s22], $0x1F40  }
0x86: {  	[sflag:s22] =	ssyncset.done $0x0  }
0x87: {  	[sflag:s22] =	ssyncadd.s32 $0xFFFFE0C0  }
0x88: {  	[tilespmem:s23], [sflag:$0x3] =	stream.linear.gather [spmem:s12], $0x1F40, $0x38;
	[tilespmem:$0x1E640] =	vst v63  }
0x89: {  	s30 =	sadd.s32 $0x1, s30;
	_ =	swait.ge [sflag:s22], $0x1F40  }
0x8a: {  	p0 =	sne.s32 s30, s20;
	[sflag:s22] =	ssyncset.done $0x0  }
.Ltmp1:
0x8b: {  	[sflag:s22] =	ssyncadd.s32 $0xFFFFE0C0;
	(pc) =	sbr.rel @p0 .LBB2_1-.Ltmp1, $4  }
0x8c: {  	[hbm4b:s19+s5] =	stream.linear.scatter [tilespmem:s23], [sflag:$0x3], $0x1F40, $0x38;
	[tilespmem:$0x1E640] =	vst v63  }
0x8d: {  	_ =	swait.ge [sflag:s22], $0x1F40  }
0x8e: {  	[sflag:s22] =	ssyncset.done $0x0  }
0x8f: {  	[sflag:s22] =	ssyncadd.s32 $0xFFFFE0C0  }
0x90: {  	_ =	sfence.sel $0x180000  }
0x91: {  	[bflag:$0x0] =	sbarrier.arrive $0xFFFF  }
0x92: {  	_ =	strace $0x9000004D  }
0x93: {  	s0 =	stileid.u32;
	[bflag:$0x2] =	sbarrier.arrive $0xFFFF  }
0x94: {  	p0 =	sne.s32 s0, $0x0;
	s0 =	rddreg [dreg:$0x4]  }
0x95: {  	s0 =	sadd.s32 @!p0 $0x100000, s0  }
0x96: {  	[sflag:s0] =	ssyncadd.tile.s32 @!p0 $0x1;
	_ =	shalt  }
.Lfunc_end2:
_tile_overlayer_lowered:
.L_overlay_start_2:
0x97: {  	(tag) =	ssettag $0x2  }
0x98: {  	s0 =	rddreg [dreg:$0x0];
	s2 =	stileid.u32  }
0x99: {  	s1 =	rddreg [dreg:$0x1];
	p0 =	sne.s32 s2, $0x0  }
0x9a: {  	s3 =	rddreg [dreg:$0x2];
	[bflag:$0x3] =	sbarrier.arrive $0xFFFF;
	s2 =	simm.s32 @!p0 $0x1C03  }
0x9b: {  	[timem:s3], [sflag:s2] =	dma.local @!p0 [hbm:s0], s1  }
0x9c: {  	s0 =	simm.s32 @!p0 $0x3  }
0x9d: {  	_ =	swait.ge @!p0 [sflag:s0], s1  }
0x9e: {  	s1 =	ssub.s32 @!p0 $0x0, s1;
	[sflag:s0] =	ssyncset.done @!p0 $0x0  }
0x9f: {  	[sflag:s0] =	ssyncadd.s32 @!p0 s1  }
0xa0: {  	[bflag:$0x3] =	sbarrier.arrive $0xFFFF  }
0xa1: {  	_ =	shalt  }

// kernel: kernel.9.cloned.1.call-start
scs
__scs_entry_jumppad:
0x0: {  	(pc) =	sbr.rel $0x88, $3  }
0x1: {  	(tag) =	ssettag $0x0;
	lr =	simm.s32 $0x1  }
0x2: {  	[smem:$0x3F98] =	sst lr;
	_ =	strace $0xD0000000  }
0x3: {  	_ = 	snop  }
0x4: {  	_ = 	snop  }
0x5: {  	_ = 	snop  }
0x6: {  	_ = 	snop  }
0x7: {  	_ = 	snop  }
__scs_overlays_trampoline_lowered:
0x8: {  	[smem:$0x3FA7] =	sst s0  }
0x9: {  	[smem:$0x3FA8] =	sst s1  }
0xa: {  	[smem:$0x3FA9] =	sst s2  }
0xb: {  	[smem:$0x3FAA] =	sst s3  }
0xc: {  	[smem:$0x3FAB] =	sst s4  }
0xd: {  	[smem:$0x3FAC] =	sst s5  }
0xe: {  	[smem:$0x3FAD] =	sst s6  }
0xf: {  	[smem:$0x3FAE] =	sst s7  }
0x10: {  	[smem:$0x3FAF] =	sst s8  }
0x11: {  	[smem:$0x3FB0] =	sst s9;
	s0 =	simm.s32 @!p0 $0x0  }
0x12: {  	s1 =	sld [smem:$0x3F96];
	s0 =	simm.s32 @p0 $0x1  }
0x13: {  	[smem:$0x3FB1] =	sst s0;
	s0 =	simm.s32 @!p1 $0x0  }
0x14: {  	s2 =	sld [smem:$0x3F95];
	s0 =	simm.s32 @p1 $0x1  }
0x15: {  	[smem:$0x3FB2] =	sst s0;
	s0 =	simm.s32 @!p2 $0x0  }
0x16: {  	s3 =	sld [smem:$0x3FDB];
	s0 =	simm.s32 @p2 $0x1  }
0x17: {  	s4 =	simm.s32 $0x1BF5;
	[smem:$0x3FB4] =	sst s0  }
0x18: {  	s0 =	sld [smem:$0x3F97];
	_ =	swait.ge [sflag:s4], $0x0  }
0x19: {  	s7 =	sld [smem:$0x3F98]  }
0x1a: {  	s8 =	sadd.s32 $0xFFFFE003, lr  }
0x1b: {  	s9 =	sadd.s32 $0xFFFFFEF7, lr;
	s5 =	simm.s32 $0xFFFFFFFF;
	p2 =	slt.u32 s8, $0xFFFFF086  }
0x1c: {  	p1 =	slt.u32 s9, $0xF7A;
	s5 =	simm.s32 @!p2 $0x0  }
0x1d: {  	s5 =	simm.s32 @p1 $0x1;
	p0 =	seq.s32 s7, s2  }
0x1e: {  	s7 =	smul.u32 @!p0 $0xF7A, s2;
	p2 =	seq.s32 @!p0 s5, $0x0  }
0x1f: {  	s9 =	smul.u32 $0xF7A, s1;
	s8 =	simm.s32 @!p0 $0x1BF5;
	p2 =	por !p2, p0  }
0x20: {  	[sflag:s8] =	ssyncset.s32 @!p0 $0xFFFFF086;
	s6 =	sadd.s32 @!p0 s3, s7;
	s7 =	simm.s32 @!p0 $0x108  }
0x21: {  	s3 =	sadd.s32 s3, s9;
	s6 =	sadd.s32 @!p0 $0x88, s6;
	s7 =	simm.s32 @p2 $0x1082  }
0x22: {  	[simem:s7], [sflag:s8] =	dma.local @!p0 [hbm:s6], $0xF7A  }
0x23: {  	s9 =	sor.u32 $0xD0000000, s2;
	s6 =	simm.s32 $0x108;
	_ =	swait.ge @!p0 [sflag:s8], $0x0  }
0x24: {  	s3 =	sadd.s32 $0x88, s3;
	s6 =	simm.s32 @!p1 $0x1082;
	[sflag:s4] =	ssyncset.s32 $0xFFFFF086  }
0x25: {  	[simem:s6], [sflag:s4] =	dma.local [hbm:s3], $0xF7A  }
0x26: {  	[smem:$0x3F98] =	sst s1;
	(tag) =	ssettag s2;
	_ =	strace s9  }
0x27: {  	s1 =	sld [smem:$0x3FA8]  }
0x28: {  	s2 =	sld [smem:$0x3FA9]  }
0x29: {  	s4 =	sld [smem:$0x3FAB]  }
0x2a: {  	p0 =	seq.s32 s5, $0x0;
	s5 =	sld [smem:$0x3FAC]  }
0x2b: {  	s6 =	sld [smem:$0x3FAD]  }
0x2c: {  	s7 =	sld [smem:$0x3FAE]  }
0x2d: {  	s3 =	simm.s32 $0x108;
	s8 =	sld [smem:$0x3FAF]  }
0x2e: {  	s3 =	simm.s32 @!p0 $0x1082;
	s9 =	sld [smem:$0x3FB0]  }
0x2f: {  	lr =	sadd.s32 s0, s3;
	s0 =	sld [smem:$0x3FA7]  }
0x30: {  	s3 =	sld [smem:$0x3FAA]  }
0x31: {  	[smem:$0x3FB3] =	sst s10  }
0x32: {  	s10 =	sld [smem:$0x3FB1];
	_ =	sdelay $0x3  }
0x33: {  	p0 =	seq.s32 s10, $0x1;
	s10 =	sld [smem:$0x3FB3];
	_ =	sdelay $0x3  }
0x34: {  	[smem:$0x3FB3] =	sst s10  }
0x35: {  	s10 =	sld [smem:$0x3FB2];
	_ =	sdelay $0x3  }
0x36: {  	p1 =	seq.s32 s10, $0x1;
	s10 =	sld [smem:$0x3FB3];
	_ =	sdelay $0x3  }
0x37: {  	[smem:$0x3FB3] =	sst s10  }
0x38: {  	s10 =	sld [smem:$0x3FB4]  }
0x39: {  	_ = 	snop;
	(pc) =	sbr.ind lr, $3  }
0x3a: {  	_ = 	snop  }
0x3b: {  	_ = 	snop  }
0x3c: {  	p2 =	seq.s32 s10, $0x1;
	s10 =	sld [smem:$0x3FB3]  }
0x3d: {  	_ =	shalt  }
0x3e: {  	_ =	shalt  }
0x3f: {  	_ =	shalt  }
0x40: {  	_ =	shalt  }
0x41: {  	_ =	shalt  }
0x42: {  	_ =	shalt  }
0x43: {  	_ =	shalt  }
0x44: {  	_ =	shalt  }
0x45: {  	_ =	shalt  }
0x46: {  	_ =	shalt  }
0x47: {  	_ =	shalt  }
0x48: {  	_ =	shalt  }
0x49: {  	_ =	shalt  }
0x4a: {  	_ =	shalt  }
0x4b: {  	_ =	shalt  }
0x4c: {  	_ =	shalt  }
0x4d: {  	_ =	shalt  }
0x4e: {  	_ =	shalt  }
0x4f: {  	_ =	shalt  }
0x50: {  	_ =	shalt  }
0x51: {  	_ =	shalt  }
0x52: {  	_ =	shalt  }
0x53: {  	_ =	shalt  }
0x54: {  	_ =	shalt  }
0x55: {  	_ =	shalt  }
0x56: {  	_ =	shalt  }
0x57: {  	_ =	shalt  }
0x58: {  	_ =	shalt  }
0x59: {  	_ =	shalt  }
0x5a: {  	_ =	shalt  }
0x5b: {  	_ =	shalt  }
0x5c: {  	_ =	shalt  }
0x5d: {  	_ =	shalt  }
0x5e: {  	_ =	shalt  }
0x5f: {  	_ =	shalt  }
0x60: {  	_ =	shalt  }
0x61: {  	_ =	shalt  }
0x62: {  	_ =	shalt  }
0x63: {  	_ =	shalt  }
0x64: {  	_ =	shalt  }
0x65: {  	_ =	shalt  }
0x66: {  	_ =	shalt  }
0x67: {  	_ =	shalt  }
0x68: {  	_ =	shalt  }
0x69: {  	_ =	shalt  }
0x6a: {  	_ =	shalt  }
0x6b: {  	_ =	shalt  }
0x6c: {  	_ =	shalt  }
0x6d: {  	_ =	shalt  }
0x6e: {  	_ =	shalt  }
0x6f: {  	_ =	shalt  }
0x70: {  	_ =	shalt  }
0x71: {  	_ =	shalt  }
0x72: {  	_ =	shalt  }
0x73: {  	_ =	shalt  }
0x74: {  	_ =	shalt  }
0x75: {  	_ =	shalt  }
0x76: {  	_ =	shalt  }
0x77: {  	_ =	shalt  }
0x78: {  	_ =	shalt  }
0x79: {  	_ =	shalt  }
0x7a: {  	_ =	shalt  }
0x7b: {  	_ =	shalt  }
0x7c: {  	_ =	shalt  }
0x7d: {  	_ =	shalt  }
0x7e: {  	_ =	shalt  }
0x7f: {  	_ =	shalt  }
0x80: {  	_ =	shalt  }
0x81: {  	_ =	shalt  }
0x82: {  	_ =	shalt  }
0x83: {  	_ =	shalt  }
0x84: {  	_ =	shalt  }
0x85: {  	_ =	shalt  }
0x86: {  	_ =	shalt  }
0x87: {  	_ =	shalt  }
.Lfunc_end0:
.L_simem_size_0:
called_computation_lowered:
.L_overlay_start_0:
0x88: {  	s2 =	sld [smem:$0x3FD9]  }
0x89: {  	s3 =	sld [smem:$0x3FFE];
	_ =	sdelay $0x1  }
0x8a: {  	s1 =	srdreg.scid  }
0x8b: {  	s0 =	sand.u32 $0x1, s1  }
0x8c: {  	s14 =	sshll.u32 s0, $0xA;
	s2 =	sadd.s32 s3, s2  }
0x8d: {  	s2 =	sadd.s32 s2, s14  }
0x8e: {  	[smem:$0x3FBF] =	sst s2  }
0x8f: {  	_ = 	snop  }
0x90: {  	s2 =	sld [smem:$0x3FD0];
	_ =	sdelay $0x2  }
0x91: {  	s15 =	simm.s32 $0xA;
	s4 =	simm.s32 $0x10  }
0x92: {  	[smem:s4], [sflag:s15] =	dma.local [hbm:s2], $0x1  }
0x93: {  	_ =	swait.eq [sflag:s15], $0x1  }
0x94: {  	[sflag:s15] =	ssyncset.done $0x0  }
0x95: {  	s16 =	sld [smem:$0x10];
	[sflag:s15] =	ssyncadd.s32 $0xFFFFFFFF  }
0x96: {  	s17 =	sld [smem:$0x11];
	(tm) =	ssettm $0x1  }
0x97: {  	s18 =	sld [smem:$0x3FFB];
	_ =	sdelay $0x3  }
0x98: {  	_ =	strace s18  }
0x99: {  	s4 =	sld [smem:$0x3FFC];
	_ =	sdelay $0x3  }
0x9a: {  	_ =	strace s4  }
0x9b: {  	s4 =	sld [smem:$0x3FFD];
	_ =	sdelay $0x3  }
0x9c: {  	_ =	strace s4  }
0x9d: {  	_ =	strace $0x8FFFFFFF  }
0x9e: {  	s19 =	sld [smem:$0x3FDB];
	_ =	sdelay $0x1  }
0x9f: {  	s5 =	simm.s32 $_scs_section_size  }
0xa0: {  	s6 =	simm.s32 $_size__tile_overlayer_lowered;
	s7 =	simm.s32 $_tile_overlayer_lowered  }
0xa1: {  	s22 =	simm.s32 $0x1BFF;
	s21 =	sshll.u32 s7, $0x1;
	s4 =	sadd.s32 s5, s19  }
0xa2: {  	s8 =	simm.s32 $0x0;
	s20 =	sshll.u32 s6, $0x1;
	s6 =	sadd.s32 s21, s4  }
0xa3: {  	[timem:s8], [sflag:s22] =	dma.local [hbm:s6], s20  }
0xa4: {  	_ =	swait.ge [sflag:s22], s20  }
0xa5: {  	s5 =	ssub.s32 $0x0, s20;
	[sflag:s22] =	ssyncset.done $0x0  }
0xa6: {  	[sflag:s22] =	ssyncadd.s32 s5;
	_ =	sdelay $0x1  }
0xa7: {  	s23 =	simm.s32 $0x1B8B  }
0xa8: {  	_ =	swait.ge [sflag:s23], $0x1  }
0xa9: {  	[sflag:s23] =	ssyncset.done $0x0  }
0xaa: {  	s25 =	simm.s32 $0x1B8E;
	s24 =	sld [smem:$0x3FFE];
	[sflag:s23] =	ssyncadd.s32 $0xFFFFFFFF  }
0xab: {  	s26 =	simm.s32 $execute0_lowered;
	[smem:$0x3FD2] =	sst s25  }
0xac: {  	s6 =	sshll.u32 s26, $0x1;
	_ =	strace $0x80000046;
	[dreg:$0x1] =	wrdreg $0xFFFFFFFF  }
0xad: {  	s28 =	simm.s32 $_size_execute0_lowered;
	s4 =	sadd.s32 s4, s6;
	[dreg:$0x0] =	wrdreg $0x0  }
0xae: {  	s6 =	sshll.u32 s28, $0x1;
	[dreg:$0x2] =	wrdreg s4  }
0xaf: {  	[dreg:$0x3] =	wrdreg s6  }
0xb0: {  	[dreg:$0x4] =	wrdreg $0xC0  }
0xb1: {  	_ =	task [dreg:s8], $0x5FFFF  }
0xb2: {  	[dreg:$0x1] =	wrdreg $0xFFFFFFFF  }
0xb3: {  	[dreg:$0x0] =	wrdreg $0x60  }
0xb4: {  	[dreg:$0x2] =	wrdreg s24  }
0xb5: {  	[dreg:$0x3] =	wrdreg s16  }
0xb6: {  	[dreg:$0x4] =	wrdreg s17  }
0xb7: {  	[dreg:$0x5] =	wrdreg $0x56E00  }
0xb8: {  	[dreg:$0x6] =	wrdreg $0x9  }
0xb9: {  	_ =	task.clear_ibuf [dreg:s8], $0x7FFFF;
	_ =	strace $0x90000046  }
0xba: {  	s29 =	simm.s32 $0x9;
	_ =	strace $0x80000048  }
0xbb: {  	_ =	swait.ge [sflag:s29], $0x1  }
0xbc: {  	[sflag:s29] =	ssyncadd.s32 $0xFFFFFFFF  }
0xbd: {  	_ =	strace $0x90000048  }
0xbe: {  	_ =	sfence  }
0xbf: {  	s30 =	sld [smem:$0x0];
	_ =	sdelay $0x2  }
0xc0: {  	s31 =	sshll.u32 s1, $0xD;
	s1 =	sshrl.u32 s1, $0x2  }
0xc1: {  	s3 =	sand.u32 $0x4000, s31;
	s1 =	sadd.s32 s1, s30  }
0xc2: {  	s0 =	sor.u32 s3, s0;
	s1 =	sshll.u32 s1, $0x11  }
0xc3: {  	s0 =	sor.u32 s1, s0  }
0xc4: {  	s0 =	sadd.s32 $0x8F2B, s0  }
0xc5: {  	[sflag:s0] =	ssyncadd.remote.s32 $0x1  }
0xc6: {  	_ =	sfence.sel $0xFFFF  }
0xc7: {  	[dreg:$0x0] =	wrdreg $0xFFFFFFFF;
	(pc) =	sbr.abs _section_cstart, $3  }
0xc8: {  	[dreg:$0x1] =	wrdreg $0xFFFFFFFF  }
0xc9: {  	_ =	task.clear_ibuf [dreg:s8], $0x2FFFF;
	_ =	strace $0x9FFFFFFF  }
0xca: {  	(tm) =	ssettm $0x7FFFFFFF  }
0xcb: {  	_ =	shalt  }
tec
execute0_lowered:
.L_overlay_start_1:
0x0: {  	(tag) =	ssettag $0x1  }
0x1: {  	s7 =	rddreg [dreg:$0x0]  }
0x2: {  	s1 =	rddreg [dreg:$0x1]  }
0x3: {  	s2 =	srdreg.scid;
	s3 =	rddreg [dreg:$0x2]  }
0x4: {  	s0 =	stileid.u32;
	s4 =	rddreg [dreg:$0x3];
	s5 =	simm.s32 $0x0  }
0x5: {  	s12 =	simm.s32 $0x2800;
	s13 =	simm.s32 $0x7D;
	s14 =	simm.s32 $0x1  }
0x6: {  	s6 =	sand.u32 $0x1, s2;
	s8 =	smul.u32 $0x2710, s0;
	s10 =	sshll.u32 s0, $0x1  }
0x7: {  	s2 =	rddreg [dreg:$0x4];
	s9 =	smul.u32 $0x27100, s6;
	s10 =	sor.u32 s6, s10  }
0x8: {  	s15 =	simm.s32 $0x0;
	[smem:$0x7FF] =	sst s5;
	s10 =	smul.u32 $0x2800, s10  }
0x9: {  	_ =	strace $0x80000047;
	s6 =	ssub.s32 $0x2, s6;
	s9 =	sadd.s32 s8, s9  }
0xa: {  	s11 =	sshrl.u32 s6, $0x1;
	s9 =	sshrl.u32 s9, $0x3;
	s10 =	sshrl.u32 s10, $0x3  }
0xb: {  	s11 =	ssub.s32 s6, s11;
	s9 =	sadd.s32 s9, s7;
	s7 =	sadd.s32 s7, s10  }
0xc: {  	s6 =	sadd.s32 s8, s4;
	s10 =	simm.s32 $0x2FD0;
	s7 =	sadd.s32 $0xCA00, s7  }
0xd: {  	s8 =	sadd.s32 $0x16A00, s9;
	s9 =	smax.u32 s11, $0x1;
	s11 =	simm.s32 $0x2  }
.LBB2_1:
0xe: {  	[tilespmem:s10], [sflag:$0x2] =	stream.linear.gather [hbm4b:s3+s5], $0x2710, $0x38;
	[tilespmem:$0x7DF0] =	vst v63  }
0xf: {  	_ =	swait.ge [sflag:s11], $0x2710  }
0x10: {  	[sflag:s11] =	ssyncset.done $0x0  }
0x11: {  	[sflag:s11] =	ssyncadd.s32 $0xFFFFD8F0  }
0x12: {  	[spmem:s6] =	stream.linear.scatter [tilespmem:s10], [sflag:$0x2], $0x2710, $0x38;
	[tilespmem:$0x7DF0] =	vst v63  }
0x13: {  	_ =	swait.ge [sflag:s11], $0x2710  }
0x14: {  	[sflag:s11] =	ssyncset.done $0x0  }
0x15: {  	[sflag:s11] =	ssyncadd.s32 $0xFFFFD8F0  }
0x16: {  	[tilespmem:s12], [sflag:$0x2] =	stream.linear.gather [hbm4b:s1+s5], $0x7D0, $0x38;
	[tilespmem:$0x7DF0] =	vst v63  }
0x17: {  	_ =	swait.ge [sflag:s11], $0x7D0  }
0x18: {  	[sflag:s11] =	ssyncset.done $0x0  }
0x19: {  	[sflag:s11] =	ssyncadd.s32 $0xFFFFF830  }
0x1a: {  	[tilespmem:s5], [sflag:$0x2] =	stream.linear.gather [hbm4b:s7+s5], $0x2800, $0x38;
	[tilespmem:$0x7DF0] =	vst v63  }
0x1b: {  	_ =	swait.ge [sflag:s11], $0x2800  }
0x1c: {  	[sflag:s11] =	ssyncset.done $0x0  }
0x1d: {  	[sflag:s11] =	ssyncadd.s32 $0xFFFFD800  }
0x1e: {  	s16 =	simm.s32 $0x0;
	[bflag:$0x0] =	sbarrier.arrive $0xFFFF  }
.LBB2_2:
0x1f: {  	p0 =	sne.s32 s16, $0x9E00  }
.Ltmp0:
0x20: {  	_ = 	snop;
	(pc) =	sbr.rel @p0 .LBB2_2-.Ltmp0, $3  }
0x21: {  	_ =	sdelay $0x1  }
0x22: {  	s17 =	sshra.s32 s16, $0x2;
	s16 =	sadd.s32 $0x200, s16  }
0x23: {  	[spmem:s4] =	stream.indirect.scatter.add.f32 [tilespmem:s12], [sflag:$0x1], $0x10, s17, s13, $0xb8;
	[tilespmem:$0x7DF0] =	vst v63  }
0x24: {  	_ =	swait.ge [sflag:s14], $0x7D0  }
0x25: {  	s16 =	simm.s32 $0x4F;
	[sflag:s14] =	ssyncset.done $0x0  }
.LBB2_4:
0x26: {  	p0 =	sne.s32 s16, $0x1;
	s16 =	sadd.s32 $0xFFFFFFFF, s16;
	[sflag:s14] =	ssyncadd.s32 $0xFFFFF830  }
.Ltmp1:
0x27: {  	(pc) =	sbr.rel @p0 .LBB2_4-.Ltmp1, $3  }
0x28: {  	_ =	sdelay $0x1  }
0x29: {  	_ =	swait.ge [sflag:s14], $0x7D0  }
0x2a: {  	[sflag:s14] =	ssyncset.done $0x0  }
0x2b: {  	[sflag:s14] =	ssyncadd.s32 $0xFFFFF830  }
0x2c: {  	[bflag:$0x0] =	sbarrier.arrive $0xFFFF  }
0x2d: {  	[tilespmem:s10], [sflag:$0x2] =	stream.linear.gather [spmem:s6], $0x2710, $0x38;
	[tilespmem:$0x7DF0] =	vst v63  }
0x2e: {  	s15 =	sadd.s32 $0x1, s15;
	_ =	swait.ge [sflag:s11], $0x2710  }
0x2f: {  	p0 =	sne.s32 s15, s9;
	[sflag:s11] =	ssyncset.done $0x0  }
.Ltmp2:
0x30: {  	[sflag:s11] =	ssyncadd.s32 $0xFFFFD8F0;
	(pc) =	sbr.rel @p0 .LBB2_1-.Ltmp2, $4  }
0x31: {  	[hbm4b:s8+s5] =	stream.linear.scatter [tilespmem:s10], [sflag:$0x2], $0x2710, $0x38;
	[tilespmem:$0x7DF0] =	vst v63  }
0x32: {  	_ =	swait.ge [sflag:s11], $0x2710  }
0x33: {  	[sflag:s11] =	ssyncset.done $0x0  }
0x34: {  	[sflag:s11] =	ssyncadd.s32 $0xFFFFD8F0  }
0x35: {  	_ =	sfence.sel $0x180000  }
0x36: {  	[bflag:$0x0] =	sbarrier.arrive $0xFFFF  }
0x37: {  	p0 =	sne.s32 s0, $0x0;
	_ =	strace $0x90000047  }
0x38: {  	s0 =	sadd.s32 @!p0 $0x100000, s2;
	[bflag:$0x2] =	sbarrier.arrive $0xFFFF  }
0x39: {  	[sflag:s0] =	ssyncadd.tile.s32 @!p0 $0x1;
	_ =	shalt  }
.Lfunc_end2:
_tile_overlayer_lowered:
.L_overlay_start_2:
0x3a: {  	(tag) =	ssettag $0x2  }
0x3b: {  	s0 =	rddreg [dreg:$0x0];
	s2 =	stileid.u32  }
0x3c: {  	s1 =	rddreg [dreg:$0x1];
	p0 =	sne.s32 s2, $0x0  }
0x3d: {  	s3 =	rddreg [dreg:$0x2];
	[bflag:$0x3] =	sbarrier.arrive $0xFFFF;
	s2 =	simm.s32 @!p0 $0x1C02  }
0x3e: {  	[timem:s3], [sflag:s2] =	dma.local @!p0 [hbm:s0], s1  }
0x3f: {  	s0 =	simm.s32 @!p0 $0x2  }
0x40: {  	_ =	swait.ge @!p0 [sflag:s0], s1  }
0x41: {  	s1 =	ssub.s32 @!p0 $0x0, s1;
	[sflag:s0] =	ssyncset.done @!p0 $0x0  }
0x42: {  	[sflag:s0] =	ssyncadd.s32 @!p0 s1  }
0x43: {  	[bflag:$0x3] =	sbarrier.arrive $0xFFFF  }
0x44: {  	_ =	shalt  }

</sc_bundles>
